<compile_context>
chip_gen: v7x
topology: tpu7x:2x2x1
jax: 0.10.2.dev20260603
libtpu: 0.0.44.dev20260713+nightly
codegen_flags: <defaults>
</compile_context>

<pallas_src>
import functools

import jax
import jax.numpy as jnp
from jax import lax
from jax.experimental import pallas as pl
from jax.experimental.pallas import tpu as pltpu
from jax.experimental.pallas import tpu_sc as plsc

N_NODES = 10000
N_EDGES = 320000
IN_DIM = 128
HIDDEN_DIM = 128
EPS = 1e-5

NC = 2
NS = 16
HF = IN_DIM // NC
C = 128
K = 157
E_PAD = NS * K * C
NB = 10
NI = NB + 1
ACC_ROWS = N_NODES + 112
ZROWS = ACC_ROWS // NS


def _sc_aggregate(h_split, eidx, zeros):
    mesh = plsc.VectorSubcoreMesh(core_axis_name="c", subcore_axis_name="s")

    @functools.partial(
        pl.kernel,
        out_type=jax.ShapeDtypeStruct((NC, ACC_ROWS, HF), jnp.float32),
        mesh=mesh,
        scratch_types=[
            pltpu.VMEM((NI, 2, C), jnp.int32),
            pltpu.VMEM((NB, C, HF), jnp.float32),
            pltpu.VMEM_SHARED((ACC_ROWS, HF), jnp.float32),
            pltpu.SemaphoreType.DMA,
            pltpu.SemaphoreType.DMA,
            pltpu.SemaphoreType.DMA,
        ],
        compiler_params=pltpu.CompilerParams(use_tc_tiling_on_sc=False),
    )
    def sc_kernel(h_hbm, eidx_hbm, z_hbm, out_hbm, idx_v, rows_v, acc_sh,
                  sem_g, sem_i, sem_s):
        c = lax.axis_index("c")
        s = lax.axis_index("s")
        pltpu.sync_copy(eidx_hbm.at[s, pl.ds(0, NB - 1)],
                        idx_v.at[pl.ds(0, NB - 1)])
        for i in range(NB - 1):
            pltpu.async_copy(h_hbm.at[c].at[idx_v.at[i, 0]], rows_v.at[i],
                             sem_g)
        pltpu.async_copy(eidx_hbm.at[s, NB - 1], idx_v.at[NB - 1], sem_i)
        pltpu.sync_copy(z_hbm.at[pl.ds(s * ZROWS, ZROWS)],
                        acc_sh.at[pl.ds(s * ZROWS, ZROWS)])
        plsc.subcore_barrier()

        def body(j, carry):
            cur = lax.rem(j, NB)
            curi = lax.rem(j, NI)
            prv = lax.rem(j + NB - 1, NB)
            prvi = lax.rem(j + NB, NI)
            nxgi = lax.rem(j + NB - 1, NI)

            @pl.when(j >= 1)
            def _():
                pltpu.make_async_copy(rows_v.at[prv],
                                      acc_sh.at[idx_v.at[prvi, 1]],
                                      sem_s).wait()

            @pl.when(j + NB - 1 < K)
            def _():
                pltpu.make_async_copy(eidx_hbm.at[s, j + NB - 1],
                                      idx_v.at[nxgi], sem_i).wait()
                pltpu.async_copy(h_hbm.at[c].at[idx_v.at[nxgi, 0]],
                                 rows_v.at[prv], sem_g)

            @pl.when(j + NB < K)
            def _():
                pltpu.async_copy(eidx_hbm.at[s, j + NB], idx_v.at[prvi],
                                 sem_i)

            pltpu.make_async_copy(h_hbm.at[c].at[idx_v.at[curi, 0]],
                                  rows_v.at[cur], sem_g).wait()
            pltpu.async_copy(rows_v.at[cur], acc_sh.at[idx_v.at[curi, 1]],
                             sem_s, add=True)
            return carry

        lax.fori_loop(0, K, body, 0, unroll=2)
        pltpu.make_async_copy(rows_v.at[(K - 1) % NB],
                              acc_sh.at[idx_v.at[(K - 1) % NI, 1]],
                              sem_s).wait()
        plsc.subcore_barrier()
        pltpu.sync_copy(acc_sh.at[pl.ds(s * ZROWS, ZROWS)],
                        out_hbm.at[c, pl.ds(s * ZROWS, ZROWS)])

    return sc_kernel(h_split, eidx, zeros)


def _tc_finish(partials, W, b, gamma, beta):
    def body(p_ref, w_ref, b_ref, g_ref, be_ref, o_ref):
        agg = jnp.concatenate(
            [p_ref[0, :N_NODES, :], p_ref[1, :N_NODES, :]], axis=1)
        out = lax.dot_general(agg, w_ref[...], (((1,), (1,)), ((), ())),
                              preferred_element_type=jnp.float32)
        out = out + b_ref[...]
        mean = jnp.mean(out, axis=0, keepdims=True)
        var = jnp.mean((out - mean) ** 2, axis=0, keepdims=True)
        o_ref[...] = (out - mean) * lax.rsqrt(var + EPS) * g_ref[...] + be_ref[...]

    return pl.pallas_call(
        body,
        out_shape=jax.ShapeDtypeStruct((N_NODES, HIDDEN_DIM), jnp.float32),
    )(partials, W, b.reshape(1, HIDDEN_DIM), gamma.reshape(1, HIDDEN_DIM),
      beta.reshape(1, HIDDEN_DIM))


def kernel(h, edge_index, W, b, gamma, beta):
    src = edge_index[0].astype(jnp.int32)
    dst = edge_index[1].astype(jnp.int32)
    pad = E_PAD - N_EDGES
    src = jnp.concatenate([src, jnp.zeros((pad,), jnp.int32)])
    dst = jnp.concatenate([dst, jnp.full((pad,), N_NODES, jnp.int32)])
    eidx = jnp.stack([src.reshape(NS, K, C), dst.reshape(NS, K, C)], axis=2)
    h_split = jnp.stack([h[:, :HF], h[:, HF:]])
    zeros = jnp.zeros((ACC_ROWS, HF), jnp.float32)
    partials = _sc_aggregate(h_split, eidx, zeros)
    return _tc_finish(partials, W, b, gamma, beta)

# --- scband reference (transcript-rebuilt; emitter-appended) ---
"""Pipeline reference for scband-gcnlayer-45140106281500 (READ-ONLY COPY).

The authoritative reference and input builder live on the scoring server;
editing this copy changes nothing except your own understanding.
"""

import jax, jax.numpy as jnp
import numpy as np

N_NODES = 10000
N_EDGES = 320000
IN_DIM = 128
HIDDEN_DIM = 128
EPS = 1e-5


def setup_inputs(seed: int = 0) -> dict:
    key = jax.random.key(seed)
    k1, k2, k3, k4 = jax.random.split(key, 4)
    h = jax.random.normal(k1, (N_NODES, IN_DIM), dtype=jnp.float32)
    edge_index = jax.random.randint(k2, (2, N_EDGES), 0, N_NODES, dtype=jnp.int64)
    # Linear layer params (torch nn.Linear: out = x @ W.T + b)
    bound = 1.0 / np.sqrt(IN_DIM)
    W = jax.random.uniform(k3, (HIDDEN_DIM, IN_DIM), minval=-bound, maxval=bound, dtype=jnp.float32)
    b = jax.random.uniform(k4, (HIDDEN_DIM,), minval=-bound, maxval=bound, dtype=jnp.float32)
    # BatchNorm1d affine params
    gamma = jnp.ones((HIDDEN_DIM,), dtype=jnp.float32)
    beta = jnp.zeros((HIDDEN_DIM,), dtype=jnp.float32)
    return {"h": h, "edge_index": edge_index, "W": W, "b": b, "gamma": gamma, "beta": beta}


def reference(h, edge_index, W, b, gamma, beta):
    # feat_drop = 0.0 -> dropout is identity
    src = edge_index[0]
    dst = edge_index[1]
    # DGL copy_src + sum reduce: h_new[v] = sum over incoming edges (u->v) of h[u]
    msgs = jnp.take(h, src, axis=0)
    agg = jax.ops.segment_sum(msgs, dst, num_segments=h.shape[0])
    # Linear
    out = agg @ W.T + b
    # BatchNorm1d (training-mode batch statistics, biased variance)
    mean = jnp.mean(out, axis=0)
    var = jnp.var(out, axis=0)
    out = (out - mean) / jnp.sqrt(var + EPS) * gamma + beta
    return out

if __name__ == "__main__":
    import jax
    _d = setup_inputs()
    print(jax.jit(kernel)(*tuple(_d.values())))

</pallas_src>

<mosaic_0001>
#map = affine_map<(d0, d1) -> (0, 0, 0)>
#map1 = affine_map<(d0, d1) -> (0, 0, 0, 0)>
#map2 = affine_map<(d0, d1) -> (0, 0)>
module attributes {stable_mosaic.version = 14 : i64} {
  func.func @sc_kernel(%arg0: i32, %arg1: i32, %arg2: memref<2x10000x64xf32, #tpu.memory_space<hbm>>, %arg3: memref<16x157x2x128xi32, #tpu.memory_space<hbm>>, %arg4: memref<10112x64xf32, #tpu.memory_space<hbm>>, %arg5: memref<2x10112x64xf32, #tpu.memory_space<hbm>>, %arg6: memref<11x2x128xi32, #tpu.memory_space<vmem>>, %arg7: memref<10x128x64xf32, #tpu.memory_space<vmem>>, %arg8: memref<10112x64xf32, #tpu.memory_space<vmem_shared>>, %arg9: memref<!tpu.dma_semaphore, #tpu.memory_space<semaphore_mem>>, %arg10: memref<!tpu.dma_semaphore, #tpu.memory_space<semaphore_mem>>, %arg11: memref<!tpu.dma_semaphore, #tpu.memory_space<semaphore_mem>>) attributes {dimension_semantics = [#tpu.dimension_semantics<core_parallel>, #tpu.dimension_semantics<subcore_parallel>], iteration_bounds = array<i64: 2, 16>, scalar_prefetch = 0 : i64, scratch_operands = 6 : i64, tpu.core_type = #tpu.core_type<sc_vector_subcore>, window_params = [{transform_indices = #map}, {transform_indices = #map1}, {transform_indices = #map2}, {transform_indices = #map}]} {
    "tpu.region"() ({
      %run_scoped3A = tpu.sem_alloc : memref<!tpu.dma_semaphore, #tpu.memory_space<semaphore_mem>>
      %dma_start3A_257 = arith.constant 0 : i32
      %dma_start3A_258 = arith.constant 0 : i32
      %dma_start3A_259 = arith.constant 0 : i32
      %dma_start3A_260 = tpu.memref_slice %arg6[%dma_start3A_257, %dma_start3A_258, %dma_start3A_259] : memref<11x2x128xi32, #tpu.memory_space<vmem>> -> memref<9x2x128xi32, #tpu.memory_space<vmem>>
      %dma_start3A_261 = arith.constant 0 : i32
      %dma_start3A_262 = arith.constant 0 : i32
      %dma_start3A_263 = arith.constant 0 : i32
      %dma_start3A_264 = tpu.memref_slice %arg3[%arg1, %dma_start3A_261, %dma_start3A_262, %dma_start3A_263] : memref<16x157x2x128xi32, #tpu.memory_space<hbm>> -> memref<1x9x2x128xi32, #tpu.memory_space<hbm>>
      %dma_start3A_265 = tpu.memref_squeeze %dma_start3A_264 : memref<1x9x2x128xi32, #tpu.memory_space<hbm>> -> memref<9x2x128xi32, #tpu.memory_space<hbm>>
      %dma_start3A_266 = arith.constant 0 : i32
      %dma_start3A_267 = arith.constant 0 : i32
      %dma_start3A_268 = arith.constant 0 : i32
      %dma_start3A_269 = tpu.memref_slice %arg6[%dma_start3A_266, %dma_start3A_267, %dma_start3A_268] : memref<11x2x128xi32, #tpu.memory_space<vmem>> -> memref<9x2x128xi32, #tpu.memory_space<vmem>>
      %dma_start3A_270 = arith.constant 0 : i32
      %dma_start3A_271 = arith.constant 0 : i32
      %dma_start3A_272 = arith.constant 0 : i32
      %dma_start3A_273 = tpu.memref_slice %arg3[%arg1, %dma_start3A_270, %dma_start3A_271, %dma_start3A_272] : memref<16x157x2x128xi32, #tpu.memory_space<hbm>> -> memref<1x9x2x128xi32, #tpu.memory_space<hbm>>
      %dma_start3A_274 = tpu.memref_squeeze %dma_start3A_273 : memref<1x9x2x128xi32, #tpu.memory_space<hbm>> -> memref<9x2x128xi32, #tpu.memory_space<hbm>>
      tpu.enqueue_dma source(%dma_start3A_274 : memref<9x2x128xi32, #tpu.memory_space<hbm>>) target(%dma_start3A_269 : memref<9x2x128xi32, #tpu.memory_space<vmem>>) target_semaphore(%run_scoped3A : memref<!tpu.dma_semaphore, #tpu.memory_space<semaphore_mem>>)
      %dma_wait3A_275 = arith.constant 0 : i32
      %dma_wait3A_276 = arith.constant 0 : i32
      %dma_wait3A_277 = arith.constant 0 : i32
      %dma_wait3A_278 = tpu.memref_slice %arg6[%dma_wait3A_275, %dma_wait3A_276, %dma_wait3A_277] : memref<11x2x128xi32, #tpu.memory_space<vmem>> -> memref<9x2x128xi32, #tpu.memory_space<vmem>>
      %dma_wait3A_279 = arith.constant 0 : i32
      %dma_wait3A_280 = arith.constant 0 : i32
      %dma_wait3A_281 = arith.constant 0 : i32
      %dma_wait3A_282 = tpu.memref_slice %arg3[%arg1, %dma_wait3A_279, %dma_wait3A_280, %dma_wait3A_281] : memref<16x157x2x128xi32, #tpu.memory_space<hbm>> -> memref<1x9x2x128xi32, #tpu.memory_space<hbm>>
      %dma_wait3A_283 = tpu.memref_squeeze %dma_wait3A_282 : memref<1x9x2x128xi32, #tpu.memory_space<hbm>> -> memref<9x2x128xi32, #tpu.memory_space<hbm>>
      %dma_wait3A_284 = arith.constant 0 : i32
      %dma_wait3A_285 = arith.constant 0 : i32
      %dma_wait3A_286 = arith.constant 0 : i32
      %dma_wait3A_287 = tpu.memref_slice %arg6[%dma_wait3A_284, %dma_wait3A_285, %dma_wait3A_286] : memref<11x2x128xi32, #tpu.memory_space<vmem>> -> memref<9x2x128xi32, #tpu.memory_space<vmem>>
      %dma_wait3A_288 = arith.constant 0 : i32
      %dma_wait3A_289 = arith.constant 0 : i32
      %dma_wait3A_290 = arith.constant 0 : i32
      %dma_wait3A_291 = tpu.memref_slice %arg3[%arg1, %dma_wait3A_288, %dma_wait3A_289, %dma_wait3A_290] : memref<16x157x2x128xi32, #tpu.memory_space<hbm>> -> memref<1x9x2x128xi32, #tpu.memory_space<hbm>>
      %dma_wait3A_292 = tpu.memref_squeeze %dma_wait3A_291 : memref<1x9x2x128xi32, #tpu.memory_space<hbm>> -> memref<9x2x128xi32, #tpu.memory_space<hbm>>
      tpu.wait_dma2 semaphore(%run_scoped3A : memref<!tpu.dma_semaphore, #tpu.memory_space<semaphore_mem>>) src(%dma_wait3A_292 : memref<9x2x128xi32, #tpu.memory_space<hbm>>) dst(%dma_wait3A_287 : memref<9x2x128xi32, #tpu.memory_space<vmem>>)
      tpu.yield
    }) : () -> ()
    %dma_start3A = arith.constant 0 : i32
    %dma_start3A_0 = arith.constant 0 : i32
    %dma_start3A_1 = arith.constant 0 : i32
    %dma_start3A_2 = arith.constant 0 : i32
    %dma_start3A_3 = arith.constant 0 : i32
    %dma_start3A_4 = tpu.memref_slice %arg7[%dma_start3A_1, %dma_start3A_2, %dma_start3A_3] : memref<10x128x64xf32, #tpu.memory_space<vmem>> -> memref<1x128x64xf32, #tpu.memory_space<vmem>>
    %dma_start3A_5 = tpu.memref_squeeze %dma_start3A_4 : memref<1x128x64xf32, #tpu.memory_space<vmem>> -> memref<128x64xf32, #tpu.memory_space<vmem>>
    %dma_start3A_6 = arith.constant 0 : i32
    %dma_start3A_7 = tpu.memref_slice %arg6[%dma_start3A, %dma_start3A_0, %dma_start3A_6] : memref<11x2x128xi32, #tpu.memory_space<vmem>> -> memref<1x1x128xi32, #tpu.memory_space<vmem>>
    %dma_start3A_8 = tpu.memref_squeeze %dma_start3A_7 : memref<1x1x128xi32, #tpu.memory_space<vmem>> -> memref<128xi32, #tpu.memory_space<vmem>>
    %dma_start3A_9 = arith.constant 0 : i32
    %dma_start3A_10 = arith.constant 0 : i32
    %dma_start3A_11 = tpu.memref_slice %arg2[%arg0, %dma_start3A_9, %dma_start3A_10] : memref<2x10000x64xf32, #tpu.memory_space<hbm>> -> memref<1x10000x64xf32, #tpu.memory_space<hbm>>
    %dma_start3A_12 = tpu.memref_squeeze %dma_start3A_11 : memref<1x10000x64xf32, #tpu.memory_space<hbm>> -> memref<10000x64xf32, #tpu.memory_space<hbm>>
    %dma_start3A_13 = arith.constant 0 : i32
    %dma_start3A_14 = arith.constant 0 : i32
    %dma_start3A_15 = tpu.memref_slice %dma_start3A_12[%dma_start3A_13, %dma_start3A_14] : memref<10000x64xf32, #tpu.memory_space<hbm>> -> memref<10000x64xf32, #tpu.memory_space<hbm>>
    tpu.enqueue_indirect_dma source(%dma_start3A_15 : memref<10000x64xf32, #tpu.memory_space<hbm>>) target(%dma_start3A_5 : memref<128x64xf32, #tpu.memory_space<vmem>>) offsets(%dma_start3A_8 : memref<128xi32, #tpu.memory_space<vmem>>) semaphore(%arg9 : memref<!tpu.dma_semaphore, #tpu.memory_space<semaphore_mem>>)
    %dma_start3A_16 = arith.constant 1 : i32
    %dma_start3A_17 = arith.constant 0 : i32
    %dma_start3A_18 = arith.constant 1 : i32
    %dma_start3A_19 = arith.constant 0 : i32
    %dma_start3A_20 = arith.constant 0 : i32
    %dma_start3A_21 = tpu.memref_slice %arg7[%dma_start3A_18, %dma_start3A_19, %dma_start3A_20] : memref<10x128x64xf32, #tpu.memory_space<vmem>> -> memref<1x128x64xf32, #tpu.memory_space<vmem>>
    %dma_start3A_22 = tpu.memref_squeeze %dma_start3A_21 : memref<1x128x64xf32, #tpu.memory_space<vmem>> -> memref<128x64xf32, #tpu.memory_space<vmem>>
    %dma_start3A_23 = arith.constant 0 : i32
    %dma_start3A_24 = tpu.memref_slice %arg6[%dma_start3A_16, %dma_start3A_17, %dma_start3A_23] : memref<11x2x128xi32, #tpu.memory_space<vmem>> -> memref<1x1x128xi32, #tpu.memory_space<vmem>>
    %dma_start3A_25 = tpu.memref_squeeze %dma_start3A_24 : memref<1x1x128xi32, #tpu.memory_space<vmem>> -> memref<128xi32, #tpu.memory_space<vmem>>
    %dma_start3A_26 = arith.constant 0 : i32
    %dma_start3A_27 = arith.constant 0 : i32
    %dma_start3A_28 = tpu.memref_slice %arg2[%arg0, %dma_start3A_26, %dma_start3A_27] : memref<2x10000x64xf32, #tpu.memory_space<hbm>> -> memref<1x10000x64xf32, #tpu.memory_space<hbm>>
    %dma_start3A_29 = tpu.memref_squeeze %dma_start3A_28 : memref<1x10000x64xf32, #tpu.memory_space<hbm>> -> memref<10000x64xf32, #tpu.memory_space<hbm>>
    %dma_start3A_30 = arith.constant 0 : i32
    %dma_start3A_31 = arith.constant 0 : i32
    %dma_start3A_32 = tpu.memref_slice %dma_start3A_29[%dma_start3A_30, %dma_start3A_31] : memref<10000x64xf32, #tpu.memory_space<hbm>> -> memref<10000x64xf32, #tpu.memory_space<hbm>>
    tpu.enqueue_indirect_dma source(%dma_start3A_32 : memref<10000x64xf32, #tpu.memory_space<hbm>>) target(%dma_start3A_22 : memref<128x64xf32, #tpu.memory_space<vmem>>) offsets(%dma_start3A_25 : memref<128xi32, #tpu.memory_space<vmem>>) semaphore(%arg9 : memref<!tpu.dma_semaphore, #tpu.memory_space<semaphore_mem>>)
    %dma_start3A_33 = arith.constant 2 : i32
    %dma_start3A_34 = arith.constant 0 : i32
    %dma_start3A_35 = arith.constant 2 : i32
    %dma_start3A_36 = arith.constant 0 : i32
    %dma_start3A_37 = arith.constant 0 : i32
    %dma_start3A_38 = tpu.memref_slice %arg7[%dma_start3A_35, %dma_start3A_36, %dma_start3A_37] : memref<10x128x64xf32, #tpu.memory_space<vmem>> -> memref<1x128x64xf32, #tpu.memory_space<vmem>>
    %dma_start3A_39 = tpu.memref_squeeze %dma_start3A_38 : memref<1x128x64xf32, #tpu.memory_space<vmem>> -> memref<128x64xf32, #tpu.memory_space<vmem>>
    %dma_start3A_40 = arith.constant 0 : i32
    %dma_start3A_41 = tpu.memref_slice %arg6[%dma_start3A_33, %dma_start3A_34, %dma_start3A_40] : memref<11x2x128xi32, #tpu.memory_space<vmem>> -> memref<1x1x128xi32, #tpu.memory_space<vmem>>
    %dma_start3A_42 = tpu.memref_squeeze %dma_start3A_41 : memref<1x1x128xi32, #tpu.memory_space<vmem>> -> memref<128xi32, #tpu.memory_space<vmem>>
    %dma_start3A_43 = arith.constant 0 : i32
    %dma_start3A_44 = arith.constant 0 : i32
    %dma_start3A_45 = tpu.memref_slice %arg2[%arg0, %dma_start3A_43, %dma_start3A_44] : memref<2x10000x64xf32, #tpu.memory_space<hbm>> -> memref<1x10000x64xf32, #tpu.memory_space<hbm>>
    %dma_start3A_46 = tpu.memref_squeeze %dma_start3A_45 : memref<1x10000x64xf32, #tpu.memory_space<hbm>> -> memref<10000x64xf32, #tpu.memory_space<hbm>>
    %dma_start3A_47 = arith.constant 0 : i32
    %dma_start3A_48 = arith.constant 0 : i32
    %dma_start3A_49 = tpu.memref_slice %dma_start3A_46[%dma_start3A_47, %dma_start3A_48] : memref<10000x64xf32, #tpu.memory_space<hbm>> -> memref<10000x64xf32, #tpu.memory_space<hbm>>
    tpu.enqueue_indirect_dma source(%dma_start3A_49 : memref<10000x64xf32, #tpu.memory_space<hbm>>) target(%dma_start3A_39 : memref<128x64xf32, #tpu.memory_space<vmem>>) offsets(%dma_start3A_42 : memref<128xi32, #tpu.memory_space<vmem>>) semaphore(%arg9 : memref<!tpu.dma_semaphore, #tpu.memory_space<semaphore_mem>>)
    %dma_start3A_50 = arith.constant 3 : i32
    %dma_start3A_51 = arith.constant 0 : i32
    %dma_start3A_52 = arith.constant 3 : i32
    %dma_start3A_53 = arith.constant 0 : i32
    %dma_start3A_54 = arith.constant 0 : i32
    %dma_start3A_55 = tpu.memref_slice %arg7[%dma_start3A_52, %dma_start3A_53, %dma_start3A_54] : memref<10x128x64xf32, #tpu.memory_space<vmem>> -> memref<1x128x64xf32, #tpu.memory_space<vmem>>
    %dma_start3A_56 = tpu.memref_squeeze %dma_start3A_55 : memref<1x128x64xf32, #tpu.memory_space<vmem>> -> memref<128x64xf32, #tpu.memory_space<vmem>>
    %dma_start3A_57 = arith.constant 0 : i32
    %dma_start3A_58 = tpu.memref_slice %arg6[%dma_start3A_50, %dma_start3A_51, %dma_start3A_57] : memref<11x2x128xi32, #tpu.memory_space<vmem>> -> memref<1x1x128xi32, #tpu.memory_space<vmem>>
    %dma_start3A_59 = tpu.memref_squeeze %dma_start3A_58 : memref<1x1x128xi32, #tpu.memory_space<vmem>> -> memref<128xi32, #tpu.memory_space<vmem>>
    %dma_start3A_60 = arith.constant 0 : i32
    %dma_start3A_61 = arith.constant 0 : i32
    %dma_start3A_62 = tpu.memref_slice %arg2[%arg0, %dma_start3A_60, %dma_start3A_61] : memref<2x10000x64xf32, #tpu.memory_space<hbm>> -> memref<1x10000x64xf32, #tpu.memory_space<hbm>>
    %dma_start3A_63 = tpu.memref_squeeze %dma_start3A_62 : memref<1x10000x64xf32, #tpu.memory_space<hbm>> -> memref<10000x64xf32, #tpu.memory_space<hbm>>
    %dma_start3A_64 = arith.constant 0 : i32
    %dma_start3A_65 = arith.constant 0 : i32
    %dma_start3A_66 = tpu.memref_slice %dma_start3A_63[%dma_start3A_64, %dma_start3A_65] : memref<10000x64xf32, #tpu.memory_space<hbm>> -> memref<10000x64xf32, #tpu.memory_space<hbm>>
    tpu.enqueue_indirect_dma source(%dma_start3A_66 : memref<10000x64xf32, #tpu.memory_space<hbm>>) target(%dma_start3A_56 : memref<128x64xf32, #tpu.memory_space<vmem>>) offsets(%dma_start3A_59 : memref<128xi32, #tpu.memory_space<vmem>>) semaphore(%arg9 : memref<!tpu.dma_semaphore, #tpu.memory_space<semaphore_mem>>)
    %dma_start3A_67 = arith.constant 4 : i32
    %dma_start3A_68 = arith.constant 0 : i32
    %dma_start3A_69 = arith.constant 4 : i32
    %dma_start3A_70 = arith.constant 0 : i32
    %dma_start3A_71 = arith.constant 0 : i32
    %dma_start3A_72 = tpu.memref_slice %arg7[%dma_start3A_69, %dma_start3A_70, %dma_start3A_71] : memref<10x128x64xf32, #tpu.memory_space<vmem>> -> memref<1x128x64xf32, #tpu.memory_space<vmem>>
    %dma_start3A_73 = tpu.memref_squeeze %dma_start3A_72 : memref<1x128x64xf32, #tpu.memory_space<vmem>> -> memref<128x64xf32, #tpu.memory_space<vmem>>
    %dma_start3A_74 = arith.constant 0 : i32
    %dma_start3A_75 = tpu.memref_slice %arg6[%dma_start3A_67, %dma_start3A_68, %dma_start3A_74] : memref<11x2x128xi32, #tpu.memory_space<vmem>> -> memref<1x1x128xi32, #tpu.memory_space<vmem>>
    %dma_start3A_76 = tpu.memref_squeeze %dma_start3A_75 : memref<1x1x128xi32, #tpu.memory_space<vmem>> -> memref<128xi32, #tpu.memory_space<vmem>>
    %dma_start3A_77 = arith.constant 0 : i32
    %dma_start3A_78 = arith.constant 0 : i32
    %dma_start3A_79 = tpu.memref_slice %arg2[%arg0, %dma_start3A_77, %dma_start3A_78] : memref<2x10000x64xf32, #tpu.memory_space<hbm>> -> memref<1x10000x64xf32, #tpu.memory_space<hbm>>
    %dma_start3A_80 = tpu.memref_squeeze %dma_start3A_79 : memref<1x10000x64xf32, #tpu.memory_space<hbm>> -> memref<10000x64xf32, #tpu.memory_space<hbm>>
    %dma_start3A_81 = arith.constant 0 : i32
    %dma_start3A_82 = arith.constant 0 : i32
    %dma_start3A_83 = tpu.memref_slice %dma_start3A_80[%dma_start3A_81, %dma_start3A_82] : memref<10000x64xf32, #tpu.memory_space<hbm>> -> memref<10000x64xf32, #tpu.memory_space<hbm>>
    tpu.enqueue_indirect_dma source(%dma_start3A_83 : memref<10000x64xf32, #tpu.memory_space<hbm>>) target(%dma_start3A_73 : memref<128x64xf32, #tpu.memory_space<vmem>>) offsets(%dma_start3A_76 : memref<128xi32, #tpu.memory_space<vmem>>) semaphore(%arg9 : memref<!tpu.dma_semaphore, #tpu.memory_space<semaphore_mem>>)
    %dma_start3A_84 = arith.constant 5 : i32
    %dma_start3A_85 = arith.constant 0 : i32
    %dma_start3A_86 = arith.constant 5 : i32
    %dma_start3A_87 = arith.constant 0 : i32
    %dma_start3A_88 = arith.constant 0 : i32
    %dma_start3A_89 = tpu.memref_slice %arg7[%dma_start3A_86, %dma_start3A_87, %dma_start3A_88] : memref<10x128x64xf32, #tpu.memory_space<vmem>> -> memref<1x128x64xf32, #tpu.memory_space<vmem>>
    %dma_start3A_90 = tpu.memref_squeeze %dma_start3A_89 : memref<1x128x64xf32, #tpu.memory_space<vmem>> -> memref<128x64xf32, #tpu.memory_space<vmem>>
    %dma_start3A_91 = arith.constant 0 : i32
    %dma_start3A_92 = tpu.memref_slice %arg6[%dma_start3A_84, %dma_start3A_85, %dma_start3A_91] : memref<11x2x128xi32, #tpu.memory_space<vmem>> -> memref<1x1x128xi32, #tpu.memory_space<vmem>>
    %dma_start3A_93 = tpu.memref_squeeze %dma_start3A_92 : memref<1x1x128xi32, #tpu.memory_space<vmem>> -> memref<128xi32, #tpu.memory_space<vmem>>
    %dma_start3A_94 = arith.constant 0 : i32
    %dma_start3A_95 = arith.constant 0 : i32
    %dma_start3A_96 = tpu.memref_slice %arg2[%arg0, %dma_start3A_94, %dma_start3A_95] : memref<2x10000x64xf32, #tpu.memory_space<hbm>> -> memref<1x10000x64xf32, #tpu.memory_space<hbm>>
    %dma_start3A_97 = tpu.memref_squeeze %dma_start3A_96 : memref<1x10000x64xf32, #tpu.memory_space<hbm>> -> memref<10000x64xf32, #tpu.memory_space<hbm>>
    %dma_start3A_98 = arith.constant 0 : i32
    %dma_start3A_99 = arith.constant 0 : i32
    %dma_start3A_100 = tpu.memref_slice %dma_start3A_97[%dma_start3A_98, %dma_start3A_99] : memref<10000x64xf32, #tpu.memory_space<hbm>> -> memref<10000x64xf32, #tpu.memory_space<hbm>>
    tpu.enqueue_indirect_dma source(%dma_start3A_100 : memref<10000x64xf32, #tpu.memory_space<hbm>>) target(%dma_start3A_90 : memref<128x64xf32, #tpu.memory_space<vmem>>) offsets(%dma_start3A_93 : memref<128xi32, #tpu.memory_space<vmem>>) semaphore(%arg9 : memref<!tpu.dma_semaphore, #tpu.memory_space<semaphore_mem>>)
    %dma_start3A_101 = arith.constant 6 : i32
    %dma_start3A_102 = arith.constant 0 : i32
    %dma_start3A_103 = arith.constant 6 : i32
    %dma_start3A_104 = arith.constant 0 : i32
    %dma_start3A_105 = arith.constant 0 : i32
    %dma_start3A_106 = tpu.memref_slice %arg7[%dma_start3A_103, %dma_start3A_104, %dma_start3A_105] : memref<10x128x64xf32, #tpu.memory_space<vmem>> -> memref<1x128x64xf32, #tpu.memory_space<vmem>>
    %dma_start3A_107 = tpu.memref_squeeze %dma_start3A_106 : memref<1x128x64xf32, #tpu.memory_space<vmem>> -> memref<128x64xf32, #tpu.memory_space<vmem>>
    %dma_start3A_108 = arith.constant 0 : i32
    %dma_start3A_109 = tpu.memref_slice %arg6[%dma_start3A_101, %dma_start3A_102, %dma_start3A_108] : memref<11x2x128xi32, #tpu.memory_space<vmem>> -> memref<1x1x128xi32, #tpu.memory_space<vmem>>
    %dma_start3A_110 = tpu.memref_squeeze %dma_start3A_109 : memref<1x1x128xi32, #tpu.memory_space<vmem>> -> memref<128xi32, #tpu.memory_space<vmem>>
    %dma_start3A_111 = arith.constant 0 : i32
    %dma_start3A_112 = arith.constant 0 : i32
    %dma_start3A_113 = tpu.memref_slice %arg2[%arg0, %dma_start3A_111, %dma_start3A_112] : memref<2x10000x64xf32, #tpu.memory_space<hbm>> -> memref<1x10000x64xf32, #tpu.memory_space<hbm>>
    %dma_start3A_114 = tpu.memref_squeeze %dma_start3A_113 : memref<1x10000x64xf32, #tpu.memory_space<hbm>> -> memref<10000x64xf32, #tpu.memory_space<hbm>>
    %dma_start3A_115 = arith.constant 0 : i32
    %dma_start3A_116 = arith.constant 0 : i32
    %dma_start3A_117 = tpu.memref_slice %dma_start3A_114[%dma_start3A_115, %dma_start3A_116] : memref<10000x64xf32, #tpu.memory_space<hbm>> -> memref<10000x64xf32, #tpu.memory_space<hbm>>
    tpu.enqueue_indirect_dma source(%dma_start3A_117 : memref<10000x64xf32, #tpu.memory_space<hbm>>) target(%dma_start3A_107 : memref<128x64xf32, #tpu.memory_space<vmem>>) offsets(%dma_start3A_110 : memref<128xi32, #tpu.memory_space<vmem>>) semaphore(%arg9 : memref<!tpu.dma_semaphore, #tpu.memory_space<semaphore_mem>>)
    %dma_start3A_118 = arith.constant 7 : i32
    %dma_start3A_119 = arith.constant 0 : i32
    %dma_start3A_120 = arith.constant 7 : i32
    %dma_start3A_121 = arith.constant 0 : i32
    %dma_start3A_122 = arith.constant 0 : i32
    %dma_start3A_123 = tpu.memref_slice %arg7[%dma_start3A_120, %dma_start3A_121, %dma_start3A_122] : memref<10x128x64xf32, #tpu.memory_space<vmem>> -> memref<1x128x64xf32, #tpu.memory_space<vmem>>
    %dma_start3A_124 = tpu.memref_squeeze %dma_start3A_123 : memref<1x128x64xf32, #tpu.memory_space<vmem>> -> memref<128x64xf32, #tpu.memory_space<vmem>>
    %dma_start3A_125 = arith.constant 0 : i32
    %dma_start3A_126 = tpu.memref_slice %arg6[%dma_start3A_118, %dma_start3A_119, %dma_start3A_125] : memref<11x2x128xi32, #tpu.memory_space<vmem>> -> memref<1x1x128xi32, #tpu.memory_space<vmem>>
    %dma_start3A_127 = tpu.memref_squeeze %dma_start3A_126 : memref<1x1x128xi32, #tpu.memory_space<vmem>> -> memref<128xi32, #tpu.memory_space<vmem>>
    %dma_start3A_128 = arith.constant 0 : i32
    %dma_start3A_129 = arith.constant 0 : i32
    %dma_start3A_130 = tpu.memref_slice %arg2[%arg0, %dma_start3A_128, %dma_start3A_129] : memref<2x10000x64xf32, #tpu.memory_space<hbm>> -> memref<1x10000x64xf32, #tpu.memory_space<hbm>>
    %dma_start3A_131 = tpu.memref_squeeze %dma_start3A_130 : memref<1x10000x64xf32, #tpu.memory_space<hbm>> -> memref<10000x64xf32, #tpu.memory_space<hbm>>
    %dma_start3A_132 = arith.constant 0 : i32
    %dma_start3A_133 = arith.constant 0 : i32
    %dma_start3A_134 = tpu.memref_slice %dma_start3A_131[%dma_start3A_132, %dma_start3A_133] : memref<10000x64xf32, #tpu.memory_space<hbm>> -> memref<10000x64xf32, #tpu.memory_space<hbm>>
    tpu.enqueue_indirect_dma source(%dma_start3A_134 : memref<10000x64xf32, #tpu.memory_space<hbm>>) target(%dma_start3A_124 : memref<128x64xf32, #tpu.memory_space<vmem>>) offsets(%dma_start3A_127 : memref<128xi32, #tpu.memory_space<vmem>>) semaphore(%arg9 : memref<!tpu.dma_semaphore, #tpu.memory_space<semaphore_mem>>)
    %dma_start3A_135 = arith.constant 8 : i32
    %dma_start3A_136 = arith.constant 0 : i32
    %dma_start3A_137 = arith.constant 8 : i32
    %dma_start3A_138 = arith.constant 0 : i32
    %dma_start3A_139 = arith.constant 0 : i32
    %dma_start3A_140 = tpu.memref_slice %arg7[%dma_start3A_137, %dma_start3A_138, %dma_start3A_139] : memref<10x128x64xf32, #tpu.memory_space<vmem>> -> memref<1x128x64xf32, #tpu.memory_space<vmem>>
    %dma_start3A_141 = tpu.memref_squeeze %dma_start3A_140 : memref<1x128x64xf32, #tpu.memory_space<vmem>> -> memref<128x64xf32, #tpu.memory_space<vmem>>
    %dma_start3A_142 = arith.constant 0 : i32
    %dma_start3A_143 = tpu.memref_slice %arg6[%dma_start3A_135, %dma_start3A_136, %dma_start3A_142] : memref<11x2x128xi32, #tpu.memory_space<vmem>> -> memref<1x1x128xi32, #tpu.memory_space<vmem>>
    %dma_start3A_144 = tpu.memref_squeeze %dma_start3A_143 : memref<1x1x128xi32, #tpu.memory_space<vmem>> -> memref<128xi32, #tpu.memory_space<vmem>>
    %dma_start3A_145 = arith.constant 0 : i32
    %dma_start3A_146 = arith.constant 0 : i32
    %dma_start3A_147 = tpu.memref_slice %arg2[%arg0, %dma_start3A_145, %dma_start3A_146] : memref<2x10000x64xf32, #tpu.memory_space<hbm>> -> memref<1x10000x64xf32, #tpu.memory_space<hbm>>
    %dma_start3A_148 = tpu.memref_squeeze %dma_start3A_147 : memref<1x10000x64xf32, #tpu.memory_space<hbm>> -> memref<10000x64xf32, #tpu.memory_space<hbm>>
    %dma_start3A_149 = arith.constant 0 : i32
    %dma_start3A_150 = arith.constant 0 : i32
    %dma_start3A_151 = tpu.memref_slice %dma_start3A_148[%dma_start3A_149, %dma_start3A_150] : memref<10000x64xf32, #tpu.memory_space<hbm>> -> memref<10000x64xf32, #tpu.memory_space<hbm>>
    tpu.enqueue_indirect_dma source(%dma_start3A_151 : memref<10000x64xf32, #tpu.memory_space<hbm>>) target(%dma_start3A_141 : memref<128x64xf32, #tpu.memory_space<vmem>>) offsets(%dma_start3A_144 : memref<128xi32, #tpu.memory_space<vmem>>) semaphore(%arg9 : memref<!tpu.dma_semaphore, #tpu.memory_space<semaphore_mem>>)
    %dma_start3A_152 = arith.constant 9 : i32
    %dma_start3A_153 = arith.constant 9 : i32
    %dma_start3A_154 = arith.constant 0 : i32
    %dma_start3A_155 = arith.constant 0 : i32
    %dma_start3A_156 = tpu.memref_slice %arg6[%dma_start3A_153, %dma_start3A_154, %dma_start3A_155] : memref<11x2x128xi32, #tpu.memory_space<vmem>> -> memref<1x2x128xi32, #tpu.memory_space<vmem>>
    %dma_start3A_157 = tpu.memref_squeeze %dma_start3A_156 : memref<1x2x128xi32, #tpu.memory_space<vmem>> -> memref<2x128xi32, #tpu.memory_space<vmem>>
    %dma_start3A_158 = arith.constant 0 : i32
    %dma_start3A_159 = arith.constant 0 : i32
    %dma_start3A_160 = tpu.memref_slice %arg3[%arg1, %dma_start3A_152, %dma_start3A_158, %dma_start3A_159] : memref<16x157x2x128xi32, #tpu.memory_space<hbm>> -> memref<1x1x2x128xi32, #tpu.memory_space<hbm>>
    %dma_start3A_161 = tpu.memref_squeeze %dma_start3A_160 : memref<1x1x2x128xi32, #tpu.memory_space<hbm>> -> memref<2x128xi32, #tpu.memory_space<hbm>>
    %dma_start3A_162 = arith.constant 0 : i32
    %dma_start3A_163 = arith.constant 0 : i32
    %dma_start3A_164 = tpu.memref_slice %arg6[%dma_start3A_153, %dma_start3A_162, %dma_start3A_163] : memref<11x2x128xi32, #tpu.memory_space<vmem>> -> memref<1x2x128xi32, #tpu.memory_space<vmem>>
    %dma_start3A_165 = tpu.memref_squeeze %dma_start3A_164 : memref<1x2x128xi32, #tpu.memory_space<vmem>> -> memref<2x128xi32, #tpu.memory_space<vmem>>
    %dma_start3A_166 = arith.constant 0 : i32
    %dma_start3A_167 = arith.constant 0 : i32
    %dma_start3A_168 = tpu.memref_slice %arg3[%arg1, %dma_start3A_152, %dma_start3A_166, %dma_start3A_167] : memref<16x157x2x128xi32, #tpu.memory_space<hbm>> -> memref<1x1x2x128xi32, #tpu.memory_space<hbm>>
    %dma_start3A_169 = tpu.memref_squeeze %dma_start3A_168 : memref<1x1x2x128xi32, #tpu.memory_space<hbm>> -> memref<2x128xi32, #tpu.memory_space<hbm>>
    tpu.enqueue_dma source(%dma_start3A_169 : memref<2x128xi32, #tpu.memory_space<hbm>>) target(%dma_start3A_165 : memref<2x128xi32, #tpu.memory_space<vmem>>) target_semaphore(%arg10 : memref<!tpu.dma_semaphore, #tpu.memory_space<semaphore_mem>>)
    %mul3A = arith.constant 632 : i32
    %mul3A_170 = arith.muli %arg1, %mul3A : i32
    %mul3A_171 = arith.constant 632 : i32
    %mul3A_172 = arith.muli %arg1, %mul3A_171 : i32
    "tpu.region"() ({
      %run_scoped3A = tpu.sem_alloc : memref<!tpu.dma_semaphore, #tpu.memory_space<semaphore_mem>>
      %dma_start3A_257 = arith.constant 0 : i32
      %dma_start3A_258 = tpu.memref_slice %arg8[%mul3A_172, %dma_start3A_257] : memref<10112x64xf32, #tpu.memory_space<vmem_shared>> -> memref<632x64xf32, #tpu.memory_space<vmem_shared>>
      %dma_start3A_259 = arith.constant 0 : i32
      %dma_start3A_260 = tpu.memref_slice %arg4[%mul3A_170, %dma_start3A_259] : memref<10112x64xf32, #tpu.memory_space<hbm>> -> memref<632x64xf32, #tpu.memory_space<hbm>>
      tpu.enqueue_dma source(%dma_start3A_260 : memref<632x64xf32, #tpu.memory_space<hbm>>) target(%dma_start3A_258 : memref<632x64xf32, #tpu.memory_space<vmem_shared>>) target_semaphore(%run_scoped3A : memref<!tpu.dma_semaphore, #tpu.memory_space<semaphore_mem>>)
      %dma_wait3A_261 = arith.constant 0 : i32
      %dma_wait3A_262 = tpu.memref_slice %arg8[%mul3A_172, %dma_wait3A_261] : memref<10112x64xf32, #tpu.memory_space<vmem_shared>> -> memref<632x64xf32, #tpu.memory_space<vmem_shared>>
      %dma_wait3A_263 = arith.constant 0 : i32
      %dma_wait3A_264 = tpu.memref_slice %arg4[%mul3A_170, %dma_wait3A_263] : memref<10112x64xf32, #tpu.memory_space<hbm>> -> memref<632x64xf32, #tpu.memory_space<hbm>>
      tpu.wait_dma2 semaphore(%run_scoped3A : memref<!tpu.dma_semaphore, #tpu.memory_space<semaphore_mem>>) src(%dma_wait3A_264 : memref<632x64xf32, #tpu.memory_space<hbm>>) dst(%dma_wait3A_262 : memref<632x64xf32, #tpu.memory_space<vmem_shared>>)
      tpu.yield
    }) : () -> ()
    %barrier3A = arith.constant 0 : index
    tpu.barrier barrier_id(%barrier3A)
    %scan3A = arith.constant 0 : i32
    %scan3A_173 = arith.constant 0 : i32
    %scan3A_174 = arith.constant 156 : i32
    %scan3A_175 = arith.addi %scan3A_173, %scan3A_174 : i32
    %scan3A_176 = arith.constant 2 : i32
    scf.for %scan3A_257 = %scan3A_173 to %scan3A_175 step %scan3A_176  : i32 {
      %rem3A_258 = arith.constant 10 : i32
      %rem3A_259 = arith.remsi %scan3A_257, %rem3A_258 : i32
      %rem3A_260 = arith.constant 11 : i32
      %rem3A_261 = arith.remsi %scan3A_257, %rem3A_260 : i32
      %add3A_262 = arith.constant 10 : i32
      %add3A_263 = arith.addi %scan3A_257, %add3A_262 : i32
      %sub3A_264 = arith.constant 1 : i32
      %sub3A_265 = arith.subi %add3A_263, %sub3A_264 : i32
      %rem3A_266 = arith.constant 10 : i32
      %rem3A_267 = arith.remsi %sub3A_265, %rem3A_266 : i32
      %add3A_268 = arith.constant 10 : i32
      %add3A_269 = arith.addi %scan3A_257, %add3A_268 : i32
      %rem3A_270 = arith.constant 11 : i32
      %rem3A_271 = arith.remsi %add3A_269, %rem3A_270 : i32
      %add3A_272 = arith.constant 10 : i32
      %add3A_273 = arith.addi %scan3A_257, %add3A_272 : i32
      %sub3A_274 = arith.constant 1 : i32
      %sub3A_275 = arith.subi %add3A_273, %sub3A_274 : i32
      %rem3A_276 = arith.constant 11 : i32
      %rem3A_277 = arith.remsi %sub3A_275, %rem3A_276 : i32
      %ge3A_278 = arith.constant 1 : i32
      %ge3A_279 = arith.cmpi sge, %scan3A_257, %ge3A_278 : i32
      %convert_element_type3A_280 = arith.extui %ge3A_279 : i1 to i32
      %cond3A_281 = arith.constant 0 : i32
      %cond3A_282 = arith.cmpi ne, %convert_element_type3A_280, %cond3A_281 : i32
      scf.if %cond3A_282 {
        %dma_wait3A_394 = arith.constant 1 : i32
        %dma_wait3A_395 = arith.constant 0 : i32
        %dma_wait3A_396 = arith.constant 0 : i32
        %dma_wait3A_397 = tpu.memref_slice %arg7[%rem3A_267, %dma_wait3A_395, %dma_wait3A_396] : memref<10x128x64xf32, #tpu.memory_space<vmem>> -> memref<1x128x64xf32, #tpu.memory_space<vmem>>
        %dma_wait3A_398 = tpu.memref_squeeze %dma_wait3A_397 : memref<1x128x64xf32, #tpu.memory_space<vmem>> -> memref<128x64xf32, #tpu.memory_space<vmem>>
        %dma_wait3A_399 = arith.constant 0 : i32
        %dma_wait3A_400 = tpu.memref_slice %arg6[%rem3A_271, %dma_wait3A_394, %dma_wait3A_399] : memref<11x2x128xi32, #tpu.memory_space<vmem>> -> memref<1x1x128xi32, #tpu.memory_space<vmem>>
        %dma_wait3A_401 = tpu.memref_squeeze %dma_wait3A_400 : memref<1x1x128xi32, #tpu.memory_space<vmem>> -> memref<128xi32, #tpu.memory_space<vmem>>
        %dma_wait3A_402 = arith.constant 0 : i32
        %dma_wait3A_403 = arith.constant 0 : i32
        %dma_wait3A_404 = tpu.memref_slice %arg8[%dma_wait3A_402, %dma_wait3A_403] : memref<10112x64xf32, #tpu.memory_space<vmem_shared>> -> memref<10112x64xf32, #tpu.memory_space<vmem_shared>>
        tpu.wait_indirect_dma semaphore(%arg11 : memref<!tpu.dma_semaphore, #tpu.memory_space<semaphore_mem>>) src(%dma_wait3A_398 : memref<128x64xf32, #tpu.memory_space<vmem>>) dst(%dma_wait3A_404 : memref<10112x64xf32, #tpu.memory_space<vmem_shared>>)
      } else {
      }
      %add3A_283 = arith.constant 10 : i32
      %add3A_284 = arith.addi %scan3A_257, %add3A_283 : i32
      %sub3A_285 = arith.constant 1 : i32
      %sub3A_286 = arith.subi %add3A_284, %sub3A_285 : i32
      %lt3A_287 = arith.constant 157 : i32
      %lt3A_288 = arith.cmpi slt, %sub3A_286, %lt3A_287 : i32
      %convert_element_type3A_289 = arith.extui %lt3A_288 : i1 to i32
      %cond3A_290 = arith.constant 0 : i32
      %cond3A_291 = arith.cmpi ne, %convert_element_type3A_289, %cond3A_290 : i32
      scf.if %cond3A_291 {
        %add3A_394 = arith.constant 10 : i32
        %add3A_395 = arith.addi %scan3A_257, %add3A_394 : i32
        %sub3A_396 = arith.constant 1 : i32
        %sub3A_397 = arith.subi %add3A_395, %sub3A_396 : i32
        %dma_wait3A_398 = arith.constant 0 : i32
        %dma_wait3A_399 = arith.constant 0 : i32
        %dma_wait3A_400 = tpu.memref_slice %arg6[%rem3A_277, %dma_wait3A_398, %dma_wait3A_399] : memref<11x2x128xi32, #tpu.memory_space<vmem>> -> memref<1x2x128xi32, #tpu.memory_space<vmem>>
        %dma_wait3A_401 = tpu.memref_squeeze %dma_wait3A_400 : memref<1x2x128xi32, #tpu.memory_space<vmem>> -> memref<2x128xi32, #tpu.memory_space<vmem>>
        %dma_wait3A_402 = arith.constant 0 : i32
        %dma_wait3A_403 = arith.constant 0 : i32
        %dma_wait3A_404 = tpu.memref_slice %arg3[%arg1, %sub3A_397, %dma_wait3A_402, %dma_wait3A_403] : memref<16x157x2x128xi32, #tpu.memory_space<hbm>> -> memref<1x1x2x128xi32, #tpu.memory_space<hbm>>
        %dma_wait3A_405 = tpu.memref_squeeze %dma_wait3A_404 : memref<1x1x2x128xi32, #tpu.memory_space<hbm>> -> memref<2x128xi32, #tpu.memory_space<hbm>>
        %dma_wait3A_406 = arith.constant 0 : i32
        %dma_wait3A_407 = arith.constant 0 : i32
        %dma_wait3A_408 = tpu.memref_slice %arg6[%rem3A_277, %dma_wait3A_406, %dma_wait3A_407] : memref<11x2x128xi32, #tpu.memory_space<vmem>> -> memref<1x2x128xi32, #tpu.memory_space<vmem>>
        %dma_wait3A_409 = tpu.memref_squeeze %dma_wait3A_408 : memref<1x2x128xi32, #tpu.memory_space<vmem>> -> memref<2x128xi32, #tpu.memory_space<vmem>>
        %dma_wait3A_410 = arith.constant 0 : i32
        %dma_wait3A_411 = arith.constant 0 : i32
        %dma_wait3A_412 = tpu.memref_slice %arg3[%arg1, %sub3A_397, %dma_wait3A_410, %dma_wait3A_411] : memref<16x157x2x128xi32, #tpu.memory_space<hbm>> -> memref<1x1x2x128xi32, #tpu.memory_space<hbm>>
        %dma_wait3A_413 = tpu.memref_squeeze %dma_wait3A_412 : memref<1x1x2x128xi32, #tpu.memory_space<hbm>> -> memref<2x128xi32, #tpu.memory_space<hbm>>
        tpu.wait_dma2 semaphore(%arg10 : memref<!tpu.dma_semaphore, #tpu.memory_space<semaphore_mem>>) src(%dma_wait3A_413 : memref<2x128xi32, #tpu.memory_space<hbm>>) dst(%dma_wait3A_409 : memref<2x128xi32, #tpu.memory_space<vmem>>)
        %dma_start3A_414 = arith.constant 0 : i32
        %dma_start3A_415 = arith.constant 0 : i32
        %dma_start3A_416 = arith.constant 0 : i32
        %dma_start3A_417 = tpu.memref_slice %arg7[%rem3A_267, %dma_start3A_415, %dma_start3A_416] : memref<10x128x64xf32, #tpu.memory_space<vmem>> -> memref<1x128x64xf32, #tpu.memory_space<vmem>>
        %dma_start3A_418 = tpu.memref_squeeze %dma_start3A_417 : memref<1x128x64xf32, #tpu.memory_space<vmem>> -> memref<128x64xf32, #tpu.memory_space<vmem>>
        %dma_start3A_419 = arith.constant 0 : i32
        %dma_start3A_420 = tpu.memref_slice %arg6[%rem3A_277, %dma_start3A_414, %dma_start3A_419] : memref<11x2x128xi32, #tpu.memory_space<vmem>> -> memref<1x1x128xi32, #tpu.memory_space<vmem>>
        %dma_start3A_421 = tpu.memref_squeeze %dma_start3A_420 : memref<1x1x128xi32, #tpu.memory_space<vmem>> -> memref<128xi32, #tpu.memory_space<vmem>>
        %dma_start3A_422 = arith.constant 0 : i32
        %dma_start3A_423 = arith.constant 0 : i32
        %dma_start3A_424 = tpu.memref_slice %arg2[%arg0, %dma_start3A_422, %dma_start3A_423] : memref<2x10000x64xf32, #tpu.memory_space<hbm>> -> memref<1x10000x64xf32, #tpu.memory_space<hbm>>
        %dma_start3A_425 = tpu.memref_squeeze %dma_start3A_424 : memref<1x10000x64xf32, #tpu.memory_space<hbm>> -> memref<10000x64xf32, #tpu.memory_space<hbm>>
        %dma_start3A_426 = arith.constant 0 : i32
        %dma_start3A_427 = arith.constant 0 : i32
        %dma_start3A_428 = tpu.memref_slice %dma_start3A_425[%dma_start3A_426, %dma_start3A_427] : memref<10000x64xf32, #tpu.memory_space<hbm>> -> memref<10000x64xf32, #tpu.memory_space<hbm>>
        tpu.enqueue_indirect_dma source(%dma_start3A_428 : memref<10000x64xf32, #tpu.memory_space<hbm>>) target(%dma_start3A_418 : memref<128x64xf32, #tpu.memory_space<vmem>>) offsets(%dma_start3A_421 : memref<128xi32, #tpu.memory_space<vmem>>) semaphore(%arg9 : memref<!tpu.dma_semaphore, #tpu.memory_space<semaphore_mem>>)
      } else {
      }
      %add3A_292 = arith.constant 10 : i32
      %add3A_293 = arith.addi %scan3A_257, %add3A_292 : i32
      %lt3A_294 = arith.constant 157 : i32
      %lt3A_295 = arith.cmpi slt, %add3A_293, %lt3A_294 : i32
      %convert_element_type3A_296 = arith.extui %lt3A_295 : i1 to i32
      %cond3A_297 = arith.constant 0 : i32
      %cond3A_298 = arith.cmpi ne, %convert_element_type3A_296, %cond3A_297 : i32
      scf.if %cond3A_298 {
        %add3A_394 = arith.constant 10 : i32
        %add3A_395 = arith.addi %scan3A_257, %add3A_394 : i32
        %dma_start3A_396 = arith.constant 0 : i32
        %dma_start3A_397 = arith.constant 0 : i32
        %dma_start3A_398 = tpu.memref_slice %arg6[%rem3A_271, %dma_start3A_396, %dma_start3A_397] : memref<11x2x128xi32, #tpu.memory_space<vmem>> -> memref<1x2x128xi32, #tpu.memory_space<vmem>>
        %dma_start3A_399 = tpu.memref_squeeze %dma_start3A_398 : memref<1x2x128xi32, #tpu.memory_space<vmem>> -> memref<2x128xi32, #tpu.memory_space<vmem>>
        %dma_start3A_400 = arith.constant 0 : i32
        %dma_start3A_401 = arith.constant 0 : i32
        %dma_start3A_402 = tpu.memref_slice %arg3[%arg1, %add3A_395, %dma_start3A_400, %dma_start3A_401] : memref<16x157x2x128xi32, #tpu.memory_space<hbm>> -> memref<1x1x2x128xi32, #tpu.memory_space<hbm>>
        %dma_start3A_403 = tpu.memref_squeeze %dma_start3A_402 : memref<1x1x2x128xi32, #tpu.memory_space<hbm>> -> memref<2x128xi32, #tpu.memory_space<hbm>>
        %dma_start3A_404 = arith.constant 0 : i32
        %dma_start3A_405 = arith.constant 0 : i32
        %dma_start3A_406 = tpu.memref_slice %arg6[%rem3A_271, %dma_start3A_404, %dma_start3A_405] : memref<11x2x128xi32, #tpu.memory_space<vmem>> -> memref<1x2x128xi32, #tpu.memory_space<vmem>>
        %dma_start3A_407 = tpu.memref_squeeze %dma_start3A_406 : memref<1x2x128xi32, #tpu.memory_space<vmem>> -> memref<2x128xi32, #tpu.memory_space<vmem>>
        %dma_start3A_408 = arith.constant 0 : i32
        %dma_start3A_409 = arith.constant 0 : i32
        %dma_start3A_410 = tpu.memref_slice %arg3[%arg1, %add3A_395, %dma_start3A_408, %dma_start3A_409] : memref<16x157x2x128xi32, #tpu.memory_space<hbm>> -> memref<1x1x2x128xi32, #tpu.memory_space<hbm>>
        %dma_start3A_411 = tpu.memref_squeeze %dma_start3A_410 : memref<1x1x2x128xi32, #tpu.memory_space<hbm>> -> memref<2x128xi32, #tpu.memory_space<hbm>>
        tpu.enqueue_dma source(%dma_start3A_411 : memref<2x128xi32, #tpu.memory_space<hbm>>) target(%dma_start3A_407 : memref<2x128xi32, #tpu.memory_space<vmem>>) target_semaphore(%arg10 : memref<!tpu.dma_semaphore, #tpu.memory_space<semaphore_mem>>)
      } else {
      }
      %dma_wait3A_299 = arith.constant 0 : i32
      %dma_wait3A_300 = arith.constant 0 : i32
      %dma_wait3A_301 = arith.constant 0 : i32
      %dma_wait3A_302 = tpu.memref_slice %arg7[%rem3A_259, %dma_wait3A_300, %dma_wait3A_301] : memref<10x128x64xf32, #tpu.memory_space<vmem>> -> memref<1x128x64xf32, #tpu.memory_space<vmem>>
      %dma_wait3A_303 = tpu.memref_squeeze %dma_wait3A_302 : memref<1x128x64xf32, #tpu.memory_space<vmem>> -> memref<128x64xf32, #tpu.memory_space<vmem>>
      %dma_wait3A_304 = arith.constant 0 : i32
      %dma_wait3A_305 = tpu.memref_slice %arg6[%rem3A_261, %dma_wait3A_299, %dma_wait3A_304] : memref<11x2x128xi32, #tpu.memory_space<vmem>> -> memref<1x1x128xi32, #tpu.memory_space<vmem>>
      %dma_wait3A_306 = tpu.memref_squeeze %dma_wait3A_305 : memref<1x1x128xi32, #tpu.memory_space<vmem>> -> memref<128xi32, #tpu.memory_space<vmem>>
      %dma_wait3A_307 = arith.constant 0 : i32
      %dma_wait3A_308 = arith.constant 0 : i32
      %dma_wait3A_309 = tpu.memref_slice %arg2[%arg0, %dma_wait3A_307, %dma_wait3A_308] : memref<2x10000x64xf32, #tpu.memory_space<hbm>> -> memref<1x10000x64xf32, #tpu.memory_space<hbm>>
      %dma_wait3A_310 = tpu.memref_squeeze %dma_wait3A_309 : memref<1x10000x64xf32, #tpu.memory_space<hbm>> -> memref<10000x64xf32, #tpu.memory_space<hbm>>
      %dma_wait3A_311 = arith.constant 0 : i32
      %dma_wait3A_312 = arith.constant 0 : i32
      %dma_wait3A_313 = tpu.memref_slice %dma_wait3A_310[%dma_wait3A_311, %dma_wait3A_312] : memref<10000x64xf32, #tpu.memory_space<hbm>> -> memref<10000x64xf32, #tpu.memory_space<hbm>>
      tpu.wait_indirect_dma semaphore(%arg9 : memref<!tpu.dma_semaphore, #tpu.memory_space<semaphore_mem>>) src(%dma_wait3A_313 : memref<10000x64xf32, #tpu.memory_space<hbm>>) dst(%dma_wait3A_303 : memref<128x64xf32, #tpu.memory_space<vmem>>)
      %dma_start3A_314 = arith.constant 1 : i32
      %dma_start3A_315 = arith.constant 0 : i32
      %dma_start3A_316 = arith.constant 0 : i32
      %dma_start3A_317 = tpu.memref_slice %arg7[%rem3A_259, %dma_start3A_315, %dma_start3A_316] : memref<10x128x64xf32, #tpu.memory_space<vmem>> -> memref<1x128x64xf32, #tpu.memory_space<vmem>>
      %dma_start3A_318 = tpu.memref_squeeze %dma_start3A_317 : memref<1x128x64xf32, #tpu.memory_space<vmem>> -> memref<128x64xf32, #tpu.memory_space<vmem>>
      %dma_start3A_319 = arith.constant 0 : i32
      %dma_start3A_320 = tpu.memref_slice %arg6[%rem3A_261, %dma_start3A_314, %dma_start3A_319] : memref<11x2x128xi32, #tpu.memory_space<vmem>> -> memref<1x1x128xi32, #tpu.memory_space<vmem>>
      %dma_start3A_321 = tpu.memref_squeeze %dma_start3A_320 : memref<1x1x128xi32, #tpu.memory_space<vmem>> -> memref<128xi32, #tpu.memory_space<vmem>>
      %dma_start3A_322 = arith.constant 0 : i32
      %dma_start3A_323 = arith.constant 0 : i32
      %dma_start3A_324 = tpu.memref_slice %arg8[%dma_start3A_322, %dma_start3A_323] : memref<10112x64xf32, #tpu.memory_space<vmem_shared>> -> memref<10112x64xf32, #tpu.memory_space<vmem_shared>>
      tpu.enqueue_indirect_dma source(%dma_start3A_318 : memref<128x64xf32, #tpu.memory_space<vmem>>) target(%dma_start3A_324 : memref<10112x64xf32, #tpu.memory_space<vmem_shared>>) offsets(%dma_start3A_321 : memref<128xi32, #tpu.memory_space<vmem>>) semaphore(%arg11 : memref<!tpu.dma_semaphore, #tpu.memory_space<semaphore_mem>>) {add = true}
      %scan3A_325 = arith.constant 1 : i32
      %scan3A_326 = arith.addi %scan3A_257, %scan3A_325 : i32
      %rem3A_327 = arith.constant 10 : i32
      %rem3A_328 = arith.remsi %scan3A_326, %rem3A_327 : i32
      %rem3A_329 = arith.constant 11 : i32
      %rem3A_330 = arith.remsi %scan3A_326, %rem3A_329 : i32
      %add3A_331 = arith.constant 10 : i32
      %add3A_332 = arith.addi %scan3A_326, %add3A_331 : i32
      %sub3A_333 = arith.constant 1 : i32
      %sub3A_334 = arith.subi %add3A_332, %sub3A_333 : i32
      %rem3A_335 = arith.constant 10 : i32
      %rem3A_336 = arith.remsi %sub3A_334, %rem3A_335 : i32
      %add3A_337 = arith.constant 10 : i32
      %add3A_338 = arith.addi %scan3A_326, %add3A_337 : i32
      %rem3A_339 = arith.constant 11 : i32
      %rem3A_340 = arith.remsi %add3A_338, %rem3A_339 : i32
      %add3A_341 = arith.constant 10 : i32
      %add3A_342 = arith.addi %scan3A_326, %add3A_341 : i32
      %sub3A_343 = arith.constant 1 : i32
      %sub3A_344 = arith.subi %add3A_342, %sub3A_343 : i32
      %rem3A_345 = arith.constant 11 : i32
      %rem3A_346 = arith.remsi %sub3A_344, %rem3A_345 : i32
      %ge3A_347 = arith.constant 1 : i32
      %ge3A_348 = arith.cmpi sge, %scan3A_326, %ge3A_347 : i32
      %convert_element_type3A_349 = arith.extui %ge3A_348 : i1 to i32
      %cond3A_350 = arith.constant 0 : i32
      %cond3A_351 = arith.cmpi ne, %convert_element_type3A_349, %cond3A_350 : i32
      scf.if %cond3A_351 {
        %dma_wait3A_394 = arith.constant 1 : i32
        %dma_wait3A_395 = arith.constant 0 : i32
        %dma_wait3A_396 = arith.constant 0 : i32
        %dma_wait3A_397 = tpu.memref_slice %arg7[%rem3A_336, %dma_wait3A_395, %dma_wait3A_396] : memref<10x128x64xf32, #tpu.memory_space<vmem>> -> memref<1x128x64xf32, #tpu.memory_space<vmem>>
        %dma_wait3A_398 = tpu.memref_squeeze %dma_wait3A_397 : memref<1x128x64xf32, #tpu.memory_space<vmem>> -> memref<128x64xf32, #tpu.memory_space<vmem>>
        %dma_wait3A_399 = arith.constant 0 : i32
        %dma_wait3A_400 = tpu.memref_slice %arg6[%rem3A_340, %dma_wait3A_394, %dma_wait3A_399] : memref<11x2x128xi32, #tpu.memory_space<vmem>> -> memref<1x1x128xi32, #tpu.memory_space<vmem>>
        %dma_wait3A_401 = tpu.memref_squeeze %dma_wait3A_400 : memref<1x1x128xi32, #tpu.memory_space<vmem>> -> memref<128xi32, #tpu.memory_space<vmem>>
        %dma_wait3A_402 = arith.constant 0 : i32
        %dma_wait3A_403 = arith.constant 0 : i32
        %dma_wait3A_404 = tpu.memref_slice %arg8[%dma_wait3A_402, %dma_wait3A_403] : memref<10112x64xf32, #tpu.memory_space<vmem_shared>> -> memref<10112x64xf32, #tpu.memory_space<vmem_shared>>
        tpu.wait_indirect_dma semaphore(%arg11 : memref<!tpu.dma_semaphore, #tpu.memory_space<semaphore_mem>>) src(%dma_wait3A_398 : memref<128x64xf32, #tpu.memory_space<vmem>>) dst(%dma_wait3A_404 : memref<10112x64xf32, #tpu.memory_space<vmem_shared>>)
      } else {
      }
      %add3A_352 = arith.constant 10 : i32
      %add3A_353 = arith.addi %scan3A_326, %add3A_352 : i32
      %sub3A_354 = arith.constant 1 : i32
      %sub3A_355 = arith.subi %add3A_353, %sub3A_354 : i32
      %lt3A_356 = arith.constant 157 : i32
      %lt3A_357 = arith.cmpi slt, %sub3A_355, %lt3A_356 : i32
      %convert_element_type3A_358 = arith.extui %lt3A_357 : i1 to i32
      %cond3A_359 = arith.constant 0 : i32
      %cond3A_360 = arith.cmpi ne, %convert_element_type3A_358, %cond3A_359 : i32
      scf.if %cond3A_360 {
        %add3A_394 = arith.constant 10 : i32
        %add3A_395 = arith.addi %scan3A_326, %add3A_394 : i32
        %sub3A_396 = arith.constant 1 : i32
        %sub3A_397 = arith.subi %add3A_395, %sub3A_396 : i32
        %dma_wait3A_398 = arith.constant 0 : i32
        %dma_wait3A_399 = arith.constant 0 : i32
        %dma_wait3A_400 = tpu.memref_slice %arg6[%rem3A_346, %dma_wait3A_398, %dma_wait3A_399] : memref<11x2x128xi32, #tpu.memory_space<vmem>> -> memref<1x2x128xi32, #tpu.memory_space<vmem>>
        %dma_wait3A_401 = tpu.memref_squeeze %dma_wait3A_400 : memref<1x2x128xi32, #tpu.memory_space<vmem>> -> memref<2x128xi32, #tpu.memory_space<vmem>>
        %dma_wait3A_402 = arith.constant 0 : i32
        %dma_wait3A_403 = arith.constant 0 : i32
        %dma_wait3A_404 = tpu.memref_slice %arg3[%arg1, %sub3A_397, %dma_wait3A_402, %dma_wait3A_403] : memref<16x157x2x128xi32, #tpu.memory_space<hbm>> -> memref<1x1x2x128xi32, #tpu.memory_space<hbm>>
        %dma_wait3A_405 = tpu.memref_squeeze %dma_wait3A_404 : memref<1x1x2x128xi32, #tpu.memory_space<hbm>> -> memref<2x128xi32, #tpu.memory_space<hbm>>
        %dma_wait3A_406 = arith.constant 0 : i32
        %dma_wait3A_407 = arith.constant 0 : i32
        %dma_wait3A_408 = tpu.memref_slice %arg6[%rem3A_346, %dma_wait3A_406, %dma_wait3A_407] : memref<11x2x128xi32, #tpu.memory_space<vmem>> -> memref<1x2x128xi32, #tpu.memory_space<vmem>>
        %dma_wait3A_409 = tpu.memref_squeeze %dma_wait3A_408 : memref<1x2x128xi32, #tpu.memory_space<vmem>> -> memref<2x128xi32, #tpu.memory_space<vmem>>
        %dma_wait3A_410 = arith.constant 0 : i32
        %dma_wait3A_411 = arith.constant 0 : i32
        %dma_wait3A_412 = tpu.memref_slice %arg3[%arg1, %sub3A_397, %dma_wait3A_410, %dma_wait3A_411] : memref<16x157x2x128xi32, #tpu.memory_space<hbm>> -> memref<1x1x2x128xi32, #tpu.memory_space<hbm>>
        %dma_wait3A_413 = tpu.memref_squeeze %dma_wait3A_412 : memref<1x1x2x128xi32, #tpu.memory_space<hbm>> -> memref<2x128xi32, #tpu.memory_space<hbm>>
        tpu.wait_dma2 semaphore(%arg10 : memref<!tpu.dma_semaphore, #tpu.memory_space<semaphore_mem>>) src(%dma_wait3A_413 : memref<2x128xi32, #tpu.memory_space<hbm>>) dst(%dma_wait3A_409 : memref<2x128xi32, #tpu.memory_space<vmem>>)
        %dma_start3A_414 = arith.constant 0 : i32
        %dma_start3A_415 = arith.constant 0 : i32
        %dma_start3A_416 = arith.constant 0 : i32
        %dma_start3A_417 = tpu.memref_slice %arg7[%rem3A_336, %dma_start3A_415, %dma_start3A_416] : memref<10x128x64xf32, #tpu.memory_space<vmem>> -> memref<1x128x64xf32, #tpu.memory_space<vmem>>
        %dma_start3A_418 = tpu.memref_squeeze %dma_start3A_417 : memref<1x128x64xf32, #tpu.memory_space<vmem>> -> memref<128x64xf32, #tpu.memory_space<vmem>>
        %dma_start3A_419 = arith.constant 0 : i32
        %dma_start3A_420 = tpu.memref_slice %arg6[%rem3A_346, %dma_start3A_414, %dma_start3A_419] : memref<11x2x128xi32, #tpu.memory_space<vmem>> -> memref<1x1x128xi32, #tpu.memory_space<vmem>>
        %dma_start3A_421 = tpu.memref_squeeze %dma_start3A_420 : memref<1x1x128xi32, #tpu.memory_space<vmem>> -> memref<128xi32, #tpu.memory_space<vmem>>
        %dma_start3A_422 = arith.constant 0 : i32
        %dma_start3A_423 = arith.constant 0 : i32
        %dma_start3A_424 = tpu.memref_slice %arg2[%arg0, %dma_start3A_422, %dma_start3A_423] : memref<2x10000x64xf32, #tpu.memory_space<hbm>> -> memref<1x10000x64xf32, #tpu.memory_space<hbm>>
        %dma_start3A_425 = tpu.memref_squeeze %dma_start3A_424 : memref<1x10000x64xf32, #tpu.memory_space<hbm>> -> memref<10000x64xf32, #tpu.memory_space<hbm>>
        %dma_start3A_426 = arith.constant 0 : i32
        %dma_start3A_427 = arith.constant 0 : i32
        %dma_start3A_428 = tpu.memref_slice %dma_start3A_425[%dma_start3A_426, %dma_start3A_427] : memref<10000x64xf32, #tpu.memory_space<hbm>> -> memref<10000x64xf32, #tpu.memory_space<hbm>>
        tpu.enqueue_indirect_dma source(%dma_start3A_428 : memref<10000x64xf32, #tpu.memory_space<hbm>>) target(%dma_start3A_418 : memref<128x64xf32, #tpu.memory_space<vmem>>) offsets(%dma_start3A_421 : memref<128xi32, #tpu.memory_space<vmem>>) semaphore(%arg9 : memref<!tpu.dma_semaphore, #tpu.memory_space<semaphore_mem>>)
      } else {
      }
      %add3A_361 = arith.constant 10 : i32
      %add3A_362 = arith.addi %scan3A_326, %add3A_361 : i32
      %lt3A_363 = arith.constant 157 : i32
      %lt3A_364 = arith.cmpi slt, %add3A_362, %lt3A_363 : i32
      %convert_element_type3A_365 = arith.extui %lt3A_364 : i1 to i32
      %cond3A_366 = arith.constant 0 : i32
      %cond3A_367 = arith.cmpi ne, %convert_element_type3A_365, %cond3A_366 : i32
      scf.if %cond3A_367 {
        %add3A_394 = arith.constant 10 : i32
        %add3A_395 = arith.addi %scan3A_326, %add3A_394 : i32
        %dma_start3A_396 = arith.constant 0 : i32
        %dma_start3A_397 = arith.constant 0 : i32
        %dma_start3A_398 = tpu.memref_slice %arg6[%rem3A_340, %dma_start3A_396, %dma_start3A_397] : memref<11x2x128xi32, #tpu.memory_space<vmem>> -> memref<1x2x128xi32, #tpu.memory_space<vmem>>
        %dma_start3A_399 = tpu.memref_squeeze %dma_start3A_398 : memref<1x2x128xi32, #tpu.memory_space<vmem>> -> memref<2x128xi32, #tpu.memory_space<vmem>>
        %dma_start3A_400 = arith.constant 0 : i32
        %dma_start3A_401 = arith.constant 0 : i32
        %dma_start3A_402 = tpu.memref_slice %arg3[%arg1, %add3A_395, %dma_start3A_400, %dma_start3A_401] : memref<16x157x2x128xi32, #tpu.memory_space<hbm>> -> memref<1x1x2x128xi32, #tpu.memory_space<hbm>>
        %dma_start3A_403 = tpu.memref_squeeze %dma_start3A_402 : memref<1x1x2x128xi32, #tpu.memory_space<hbm>> -> memref<2x128xi32, #tpu.memory_space<hbm>>
        %dma_start3A_404 = arith.constant 0 : i32
        %dma_start3A_405 = arith.constant 0 : i32
        %dma_start3A_406 = tpu.memref_slice %arg6[%rem3A_340, %dma_start3A_404, %dma_start3A_405] : memref<11x2x128xi32, #tpu.memory_space<vmem>> -> memref<1x2x128xi32, #tpu.memory_space<vmem>>
        %dma_start3A_407 = tpu.memref_squeeze %dma_start3A_406 : memref<1x2x128xi32, #tpu.memory_space<vmem>> -> memref<2x128xi32, #tpu.memory_space<vmem>>
        %dma_start3A_408 = arith.constant 0 : i32
        %dma_start3A_409 = arith.constant 0 : i32
        %dma_start3A_410 = tpu.memref_slice %arg3[%arg1, %add3A_395, %dma_start3A_408, %dma_start3A_409] : memref<16x157x2x128xi32, #tpu.memory_space<hbm>> -> memref<1x1x2x128xi32, #tpu.memory_space<hbm>>
        %dma_start3A_411 = tpu.memref_squeeze %dma_start3A_410 : memref<1x1x2x128xi32, #tpu.memory_space<hbm>> -> memref<2x128xi32, #tpu.memory_space<hbm>>
        tpu.enqueue_dma source(%dma_start3A_411 : memref<2x128xi32, #tpu.memory_space<hbm>>) target(%dma_start3A_407 : memref<2x128xi32, #tpu.memory_space<vmem>>) target_semaphore(%arg10 : memref<!tpu.dma_semaphore, #tpu.memory_space<semaphore_mem>>)
      } else {
      }
      %dma_wait3A_368 = arith.constant 0 : i32
      %dma_wait3A_369 = arith.constant 0 : i32
      %dma_wait3A_370 = arith.constant 0 : i32
      %dma_wait3A_371 = tpu.memref_slice %arg7[%rem3A_328, %dma_wait3A_369, %dma_wait3A_370] : memref<10x128x64xf32, #tpu.memory_space<vmem>> -> memref<1x128x64xf32, #tpu.memory_space<vmem>>
      %dma_wait3A_372 = tpu.memref_squeeze %dma_wait3A_371 : memref<1x128x64xf32, #tpu.memory_space<vmem>> -> memref<128x64xf32, #tpu.memory_space<vmem>>
      %dma_wait3A_373 = arith.constant 0 : i32
      %dma_wait3A_374 = tpu.memref_slice %arg6[%rem3A_330, %dma_wait3A_368, %dma_wait3A_373] : memref<11x2x128xi32, #tpu.memory_space<vmem>> -> memref<1x1x128xi32, #tpu.memory_space<vmem>>
      %dma_wait3A_375 = tpu.memref_squeeze %dma_wait3A_374 : memref<1x1x128xi32, #tpu.memory_space<vmem>> -> memref<128xi32, #tpu.memory_space<vmem>>
      %dma_wait3A_376 = arith.constant 0 : i32
      %dma_wait3A_377 = arith.constant 0 : i32
      %dma_wait3A_378 = tpu.memref_slice %arg2[%arg0, %dma_wait3A_376, %dma_wait3A_377] : memref<2x10000x64xf32, #tpu.memory_space<hbm>> -> memref<1x10000x64xf32, #tpu.memory_space<hbm>>
      %dma_wait3A_379 = tpu.memref_squeeze %dma_wait3A_378 : memref<1x10000x64xf32, #tpu.memory_space<hbm>> -> memref<10000x64xf32, #tpu.memory_space<hbm>>
      %dma_wait3A_380 = arith.constant 0 : i32
      %dma_wait3A_381 = arith.constant 0 : i32
      %dma_wait3A_382 = tpu.memref_slice %dma_wait3A_379[%dma_wait3A_380, %dma_wait3A_381] : memref<10000x64xf32, #tpu.memory_space<hbm>> -> memref<10000x64xf32, #tpu.memory_space<hbm>>
      tpu.wait_indirect_dma semaphore(%arg9 : memref<!tpu.dma_semaphore, #tpu.memory_space<semaphore_mem>>) src(%dma_wait3A_382 : memref<10000x64xf32, #tpu.memory_space<hbm>>) dst(%dma_wait3A_372 : memref<128x64xf32, #tpu.memory_space<vmem>>)
      %dma_start3A_383 = arith.constant 1 : i32
      %dma_start3A_384 = arith.constant 0 : i32
      %dma_start3A_385 = arith.constant 0 : i32
      %dma_start3A_386 = tpu.memref_slice %arg7[%rem3A_328, %dma_start3A_384, %dma_start3A_385] : memref<10x128x64xf32, #tpu.memory_space<vmem>> -> memref<1x128x64xf32, #tpu.memory_space<vmem>>
      %dma_start3A_387 = tpu.memref_squeeze %dma_start3A_386 : memref<1x128x64xf32, #tpu.memory_space<vmem>> -> memref<128x64xf32, #tpu.memory_space<vmem>>
      %dma_start3A_388 = arith.constant 0 : i32
      %dma_start3A_389 = tpu.memref_slice %arg6[%rem3A_330, %dma_start3A_383, %dma_start3A_388] : memref<11x2x128xi32, #tpu.memory_space<vmem>> -> memref<1x1x128xi32, #tpu.memory_space<vmem>>
      %dma_start3A_390 = tpu.memref_squeeze %dma_start3A_389 : memref<1x1x128xi32, #tpu.memory_space<vmem>> -> memref<128xi32, #tpu.memory_space<vmem>>
      %dma_start3A_391 = arith.constant 0 : i32
      %dma_start3A_392 = arith.constant 0 : i32
      %dma_start3A_393 = tpu.memref_slice %arg8[%dma_start3A_391, %dma_start3A_392] : memref<10112x64xf32, #tpu.memory_space<vmem_shared>> -> memref<10112x64xf32, #tpu.memory_space<vmem_shared>>
      tpu.enqueue_indirect_dma source(%dma_start3A_387 : memref<128x64xf32, #tpu.memory_space<vmem>>) target(%dma_start3A_393 : memref<10112x64xf32, #tpu.memory_space<vmem_shared>>) offsets(%dma_start3A_390 : memref<128xi32, #tpu.memory_space<vmem>>) semaphore(%arg11 : memref<!tpu.dma_semaphore, #tpu.memory_space<semaphore_mem>>) {add = true}
    }
    %scan3A_177 = arith.constant 156 : i32
    %scan3A_178 = arith.addi %scan3A_173, %scan3A_177 : i32
    %rem3A = arith.constant 10 : i32
    %rem3A_179 = arith.remsi %scan3A_178, %rem3A : i32
    %rem3A_180 = arith.constant 11 : i32
    %rem3A_181 = arith.remsi %scan3A_178, %rem3A_180 : i32
    %add3A = arith.constant 10 : i32
    %add3A_182 = arith.addi %scan3A_178, %add3A : i32
    %sub3A = arith.constant 1 : i32
    %sub3A_183 = arith.subi %add3A_182, %sub3A : i32
    %rem3A_184 = arith.constant 10 : i32
    %rem3A_185 = arith.remsi %sub3A_183, %rem3A_184 : i32
    %add3A_186 = arith.constant 10 : i32
    %add3A_187 = arith.addi %scan3A_178, %add3A_186 : i32
    %rem3A_188 = arith.constant 11 : i32
    %rem3A_189 = arith.remsi %add3A_187, %rem3A_188 : i32
    %add3A_190 = arith.constant 10 : i32
    %add3A_191 = arith.addi %scan3A_178, %add3A_190 : i32
    %sub3A_192 = arith.constant 1 : i32
    %sub3A_193 = arith.subi %add3A_191, %sub3A_192 : i32
    %rem3A_194 = arith.constant 11 : i32
    %rem3A_195 = arith.remsi %sub3A_193, %rem3A_194 : i32
    %ge3A = arith.constant 1 : i32
    %ge3A_196 = arith.cmpi sge, %scan3A_178, %ge3A : i32
    %convert_element_type3A = arith.extui %ge3A_196 : i1 to i32
    %cond3A = arith.constant 0 : i32
    %cond3A_197 = arith.cmpi ne, %convert_element_type3A, %cond3A : i32
    scf.if %cond3A_197 {
      %dma_wait3A_257 = arith.constant 1 : i32
      %dma_wait3A_258 = arith.constant 0 : i32
      %dma_wait3A_259 = arith.constant 0 : i32
      %dma_wait3A_260 = tpu.memref_slice %arg7[%rem3A_185, %dma_wait3A_258, %dma_wait3A_259] : memref<10x128x64xf32, #tpu.memory_space<vmem>> -> memref<1x128x64xf32, #tpu.memory_space<vmem>>
      %dma_wait3A_261 = tpu.memref_squeeze %dma_wait3A_260 : memref<1x128x64xf32, #tpu.memory_space<vmem>> -> memref<128x64xf32, #tpu.memory_space<vmem>>
      %dma_wait3A_262 = arith.constant 0 : i32
      %dma_wait3A_263 = tpu.memref_slice %arg6[%rem3A_189, %dma_wait3A_257, %dma_wait3A_262] : memref<11x2x128xi32, #tpu.memory_space<vmem>> -> memref<1x1x128xi32, #tpu.memory_space<vmem>>
      %dma_wait3A_264 = tpu.memref_squeeze %dma_wait3A_263 : memref<1x1x128xi32, #tpu.memory_space<vmem>> -> memref<128xi32, #tpu.memory_space<vmem>>
      %dma_wait3A_265 = arith.constant 0 : i32
      %dma_wait3A_266 = arith.constant 0 : i32
      %dma_wait3A_267 = tpu.memref_slice %arg8[%dma_wait3A_265, %dma_wait3A_266] : memref<10112x64xf32, #tpu.memory_space<vmem_shared>> -> memref<10112x64xf32, #tpu.memory_space<vmem_shared>>
      tpu.wait_indirect_dma semaphore(%arg11 : memref<!tpu.dma_semaphore, #tpu.memory_space<semaphore_mem>>) src(%dma_wait3A_261 : memref<128x64xf32, #tpu.memory_space<vmem>>) dst(%dma_wait3A_267 : memref<10112x64xf32, #tpu.memory_space<vmem_shared>>)
    } else {
    }
    %add3A_198 = arith.constant 10 : i32
    %add3A_199 = arith.addi %scan3A_178, %add3A_198 : i32
    %sub3A_200 = arith.constant 1 : i32
    %sub3A_201 = arith.subi %add3A_199, %sub3A_200 : i32
    %lt3A = arith.constant 157 : i32
    %lt3A_202 = arith.cmpi slt, %sub3A_201, %lt3A : i32
    %convert_element_type3A_203 = arith.extui %lt3A_202 : i1 to i32
    %cond3A_204 = arith.constant 0 : i32
    %cond3A_205 = arith.cmpi ne, %convert_element_type3A_203, %cond3A_204 : i32
    scf.if %cond3A_205 {
      %add3A_257 = arith.constant 10 : i32
      %add3A_258 = arith.addi %scan3A_178, %add3A_257 : i32
      %sub3A_259 = arith.constant 1 : i32
      %sub3A_260 = arith.subi %add3A_258, %sub3A_259 : i32
      %dma_wait3A_261 = arith.constant 0 : i32
      %dma_wait3A_262 = arith.constant 0 : i32
      %dma_wait3A_263 = tpu.memref_slice %arg6[%rem3A_195, %dma_wait3A_261, %dma_wait3A_262] : memref<11x2x128xi32, #tpu.memory_space<vmem>> -> memref<1x2x128xi32, #tpu.memory_space<vmem>>
      %dma_wait3A_264 = tpu.memref_squeeze %dma_wait3A_263 : memref<1x2x128xi32, #tpu.memory_space<vmem>> -> memref<2x128xi32, #tpu.memory_space<vmem>>
      %dma_wait3A_265 = arith.constant 0 : i32
      %dma_wait3A_266 = arith.constant 0 : i32
      %dma_wait3A_267 = tpu.memref_slice %arg3[%arg1, %sub3A_260, %dma_wait3A_265, %dma_wait3A_266] : memref<16x157x2x128xi32, #tpu.memory_space<hbm>> -> memref<1x1x2x128xi32, #tpu.memory_space<hbm>>
      %dma_wait3A_268 = tpu.memref_squeeze %dma_wait3A_267 : memref<1x1x2x128xi32, #tpu.memory_space<hbm>> -> memref<2x128xi32, #tpu.memory_space<hbm>>
      %dma_wait3A_269 = arith.constant 0 : i32
      %dma_wait3A_270 = arith.constant 0 : i32
      %dma_wait3A_271 = tpu.memref_slice %arg6[%rem3A_195, %dma_wait3A_269, %dma_wait3A_270] : memref<11x2x128xi32, #tpu.memory_space<vmem>> -> memref<1x2x128xi32, #tpu.memory_space<vmem>>
      %dma_wait3A_272 = tpu.memref_squeeze %dma_wait3A_271 : memref<1x2x128xi32, #tpu.memory_space<vmem>> -> memref<2x128xi32, #tpu.memory_space<vmem>>
      %dma_wait3A_273 = arith.constant 0 : i32
      %dma_wait3A_274 = arith.constant 0 : i32
      %dma_wait3A_275 = tpu.memref_slice %arg3[%arg1, %sub3A_260, %dma_wait3A_273, %dma_wait3A_274] : memref<16x157x2x128xi32, #tpu.memory_space<hbm>> -> memref<1x1x2x128xi32, #tpu.memory_space<hbm>>
      %dma_wait3A_276 = tpu.memref_squeeze %dma_wait3A_275 : memref<1x1x2x128xi32, #tpu.memory_space<hbm>> -> memref<2x128xi32, #tpu.memory_space<hbm>>
      tpu.wait_dma2 semaphore(%arg10 : memref<!tpu.dma_semaphore, #tpu.memory_space<semaphore_mem>>) src(%dma_wait3A_276 : memref<2x128xi32, #tpu.memory_space<hbm>>) dst(%dma_wait3A_272 : memref<2x128xi32, #tpu.memory_space<vmem>>)
      %dma_start3A_277 = arith.constant 0 : i32
      %dma_start3A_278 = arith.constant 0 : i32
      %dma_start3A_279 = arith.constant 0 : i32
      %dma_start3A_280 = tpu.memref_slice %arg7[%rem3A_185, %dma_start3A_278, %dma_start3A_279] : memref<10x128x64xf32, #tpu.memory_space<vmem>> -> memref<1x128x64xf32, #tpu.memory_space<vmem>>
      %dma_start3A_281 = tpu.memref_squeeze %dma_start3A_280 : memref<1x128x64xf32, #tpu.memory_space<vmem>> -> memref<128x64xf32, #tpu.memory_space<vmem>>
      %dma_start3A_282 = arith.constant 0 : i32
      %dma_start3A_283 = tpu.memref_slice %arg6[%rem3A_195, %dma_start3A_277, %dma_start3A_282] : memref<11x2x128xi32, #tpu.memory_space<vmem>> -> memref<1x1x128xi32, #tpu.memory_space<vmem>>
      %dma_start3A_284 = tpu.memref_squeeze %dma_start3A_283 : memref<1x1x128xi32, #tpu.memory_space<vmem>> -> memref<128xi32, #tpu.memory_space<vmem>>
      %dma_start3A_285 = arith.constant 0 : i32
      %dma_start3A_286 = arith.constant 0 : i32
      %dma_start3A_287 = tpu.memref_slice %arg2[%arg0, %dma_start3A_285, %dma_start3A_286] : memref<2x10000x64xf32, #tpu.memory_space<hbm>> -> memref<1x10000x64xf32, #tpu.memory_space<hbm>>
      %dma_start3A_288 = tpu.memref_squeeze %dma_start3A_287 : memref<1x10000x64xf32, #tpu.memory_space<hbm>> -> memref<10000x64xf32, #tpu.memory_space<hbm>>
      %dma_start3A_289 = arith.constant 0 : i32
      %dma_start3A_290 = arith.constant 0 : i32
      %dma_start3A_291 = tpu.memref_slice %dma_start3A_288[%dma_start3A_289, %dma_start3A_290] : memref<10000x64xf32, #tpu.memory_space<hbm>> -> memref<10000x64xf32, #tpu.memory_space<hbm>>
      tpu.enqueue_indirect_dma source(%dma_start3A_291 : memref<10000x64xf32, #tpu.memory_space<hbm>>) target(%dma_start3A_281 : memref<128x64xf32, #tpu.memory_space<vmem>>) offsets(%dma_start3A_284 : memref<128xi32, #tpu.memory_space<vmem>>) semaphore(%arg9 : memref<!tpu.dma_semaphore, #tpu.memory_space<semaphore_mem>>)
    } else {
    }
    %add3A_206 = arith.constant 10 : i32
    %add3A_207 = arith.addi %scan3A_178, %add3A_206 : i32
    %lt3A_208 = arith.constant 157 : i32
    %lt3A_209 = arith.cmpi slt, %add3A_207, %lt3A_208 : i32
    %convert_element_type3A_210 = arith.extui %lt3A_209 : i1 to i32
    %cond3A_211 = arith.constant 0 : i32
    %cond3A_212 = arith.cmpi ne, %convert_element_type3A_210, %cond3A_211 : i32
    scf.if %cond3A_212 {
      %add3A_257 = arith.constant 10 : i32
      %add3A_258 = arith.addi %scan3A_178, %add3A_257 : i32
      %dma_start3A_259 = arith.constant 0 : i32
      %dma_start3A_260 = arith.constant 0 : i32
      %dma_start3A_261 = tpu.memref_slice %arg6[%rem3A_189, %dma_start3A_259, %dma_start3A_260] : memref<11x2x128xi32, #tpu.memory_space<vmem>> -> memref<1x2x128xi32, #tpu.memory_space<vmem>>
      %dma_start3A_262 = tpu.memref_squeeze %dma_start3A_261 : memref<1x2x128xi32, #tpu.memory_space<vmem>> -> memref<2x128xi32, #tpu.memory_space<vmem>>
      %dma_start3A_263 = arith.constant 0 : i32
      %dma_start3A_264 = arith.constant 0 : i32
      %dma_start3A_265 = tpu.memref_slice %arg3[%arg1, %add3A_258, %dma_start3A_263, %dma_start3A_264] : memref<16x157x2x128xi32, #tpu.memory_space<hbm>> -> memref<1x1x2x128xi32, #tpu.memory_space<hbm>>
      %dma_start3A_266 = tpu.memref_squeeze %dma_start3A_265 : memref<1x1x2x128xi32, #tpu.memory_space<hbm>> -> memref<2x128xi32, #tpu.memory_space<hbm>>
      %dma_start3A_267 = arith.constant 0 : i32
      %dma_start3A_268 = arith.constant 0 : i32
      %dma_start3A_269 = tpu.memref_slice %arg6[%rem3A_189, %dma_start3A_267, %dma_start3A_268] : memref<11x2x128xi32, #tpu.memory_space<vmem>> -> memref<1x2x128xi32, #tpu.memory_space<vmem>>
      %dma_start3A_270 = tpu.memref_squeeze %dma_start3A_269 : memref<1x2x128xi32, #tpu.memory_space<vmem>> -> memref<2x128xi32, #tpu.memory_space<vmem>>
      %dma_start3A_271 = arith.constant 0 : i32
      %dma_start3A_272 = arith.constant 0 : i32
      %dma_start3A_273 = tpu.memref_slice %arg3[%arg1, %add3A_258, %dma_start3A_271, %dma_start3A_272] : memref<16x157x2x128xi32, #tpu.memory_space<hbm>> -> memref<1x1x2x128xi32, #tpu.memory_space<hbm>>
      %dma_start3A_274 = tpu.memref_squeeze %dma_start3A_273 : memref<1x1x2x128xi32, #tpu.memory_space<hbm>> -> memref<2x128xi32, #tpu.memory_space<hbm>>
      tpu.enqueue_dma source(%dma_start3A_274 : memref<2x128xi32, #tpu.memory_space<hbm>>) target(%dma_start3A_270 : memref<2x128xi32, #tpu.memory_space<vmem>>) target_semaphore(%arg10 : memref<!tpu.dma_semaphore, #tpu.memory_space<semaphore_mem>>)
    } else {
    }
    %dma_wait3A = arith.constant 0 : i32
    %dma_wait3A_213 = arith.constant 0 : i32
    %dma_wait3A_214 = arith.constant 0 : i32
    %dma_wait3A_215 = tpu.memref_slice %arg7[%rem3A_179, %dma_wait3A_213, %dma_wait3A_214] : memref<10x128x64xf32, #tpu.memory_space<vmem>> -> memref<1x128x64xf32, #tpu.memory_space<vmem>>
    %dma_wait3A_216 = tpu.memref_squeeze %dma_wait3A_215 : memref<1x128x64xf32, #tpu.memory_space<vmem>> -> memref<128x64xf32, #tpu.memory_space<vmem>>
    %dma_wait3A_217 = arith.constant 0 : i32
    %dma_wait3A_218 = tpu.memref_slice %arg6[%rem3A_181, %dma_wait3A, %dma_wait3A_217] : memref<11x2x128xi32, #tpu.memory_space<vmem>> -> memref<1x1x128xi32, #tpu.memory_space<vmem>>
    %dma_wait3A_219 = tpu.memref_squeeze %dma_wait3A_218 : memref<1x1x128xi32, #tpu.memory_space<vmem>> -> memref<128xi32, #tpu.memory_space<vmem>>
    %dma_wait3A_220 = arith.constant 0 : i32
    %dma_wait3A_221 = arith.constant 0 : i32
    %dma_wait3A_222 = tpu.memref_slice %arg2[%arg0, %dma_wait3A_220, %dma_wait3A_221] : memref<2x10000x64xf32, #tpu.memory_space<hbm>> -> memref<1x10000x64xf32, #tpu.memory_space<hbm>>
    %dma_wait3A_223 = tpu.memref_squeeze %dma_wait3A_222 : memref<1x10000x64xf32, #tpu.memory_space<hbm>> -> memref<10000x64xf32, #tpu.memory_space<hbm>>
    %dma_wait3A_224 = arith.constant 0 : i32
    %dma_wait3A_225 = arith.constant 0 : i32
    %dma_wait3A_226 = tpu.memref_slice %dma_wait3A_223[%dma_wait3A_224, %dma_wait3A_225] : memref<10000x64xf32, #tpu.memory_space<hbm>> -> memref<10000x64xf32, #tpu.memory_space<hbm>>
    tpu.wait_indirect_dma semaphore(%arg9 : memref<!tpu.dma_semaphore, #tpu.memory_space<semaphore_mem>>) src(%dma_wait3A_226 : memref<10000x64xf32, #tpu.memory_space<hbm>>) dst(%dma_wait3A_216 : memref<128x64xf32, #tpu.memory_space<vmem>>)
    %dma_start3A_227 = arith.constant 1 : i32
    %dma_start3A_228 = arith.constant 0 : i32
    %dma_start3A_229 = arith.constant 0 : i32
    %dma_start3A_230 = tpu.memref_slice %arg7[%rem3A_179, %dma_start3A_228, %dma_start3A_229] : memref<10x128x64xf32, #tpu.memory_space<vmem>> -> memref<1x128x64xf32, #tpu.memory_space<vmem>>
    %dma_start3A_231 = tpu.memref_squeeze %dma_start3A_230 : memref<1x128x64xf32, #tpu.memory_space<vmem>> -> memref<128x64xf32, #tpu.memory_space<vmem>>
    %dma_start3A_232 = arith.constant 0 : i32
    %dma_start3A_233 = tpu.memref_slice %arg6[%rem3A_181, %dma_start3A_227, %dma_start3A_232] : memref<11x2x128xi32, #tpu.memory_space<vmem>> -> memref<1x1x128xi32, #tpu.memory_space<vmem>>
    %dma_start3A_234 = tpu.memref_squeeze %dma_start3A_233 : memref<1x1x128xi32, #tpu.memory_space<vmem>> -> memref<128xi32, #tpu.memory_space<vmem>>
    %dma_start3A_235 = arith.constant 0 : i32
    %dma_start3A_236 = arith.constant 0 : i32
    %dma_start3A_237 = tpu.memref_slice %arg8[%dma_start3A_235, %dma_start3A_236] : memref<10112x64xf32, #tpu.memory_space<vmem_shared>> -> memref<10112x64xf32, #tpu.memory_space<vmem_shared>>
    tpu.enqueue_indirect_dma source(%dma_start3A_231 : memref<128x64xf32, #tpu.memory_space<vmem>>) target(%dma_start3A_237 : memref<10112x64xf32, #tpu.memory_space<vmem_shared>>) offsets(%dma_start3A_234 : memref<128xi32, #tpu.memory_space<vmem>>) semaphore(%arg11 : memref<!tpu.dma_semaphore, #tpu.memory_space<semaphore_mem>>) {add = true}
    %scan3A_238 = arith.constant 157 : i32
    %dma_wait3A_239 = arith.constant 6 : i32
    %dma_wait3A_240 = arith.constant 2 : i32
    %dma_wait3A_241 = arith.constant 1 : i32
    %dma_wait3A_242 = arith.constant 0 : i32
    %dma_wait3A_243 = arith.constant 0 : i32
    %dma_wait3A_244 = tpu.memref_slice %arg7[%dma_wait3A_239, %dma_wait3A_242, %dma_wait3A_243] : memref<10x128x64xf32, #tpu.memory_space<vmem>> -> memref<1x128x64xf32, #tpu.memory_space<vmem>>
    %dma_wait3A_245 = tpu.memref_squeeze %dma_wait3A_244 : memref<1x128x64xf32, #tpu.memory_space<vmem>> -> memref<128x64xf32, #tpu.memory_space<vmem>>
    %dma_wait3A_246 = arith.constant 0 : i32
    %dma_wait3A_247 = tpu.memref_slice %arg6[%dma_wait3A_240, %dma_wait3A_241, %dma_wait3A_246] : memref<11x2x128xi32, #tpu.memory_space<vmem>> -> memref<1x1x128xi32, #tpu.memory_space<vmem>>
    %dma_wait3A_248 = tpu.memref_squeeze %dma_wait3A_247 : memref<1x1x128xi32, #tpu.memory_space<vmem>> -> memref<128xi32, #tpu.memory_space<vmem>>
    %dma_wait3A_249 = arith.constant 0 : i32
    %dma_wait3A_250 = arith.constant 0 : i32
    %dma_wait3A_251 = tpu.memref_slice %arg8[%dma_wait3A_249, %dma_wait3A_250] : memref<10112x64xf32, #tpu.memory_space<vmem_shared>> -> memref<10112x64xf32, #tpu.memory_space<vmem_shared>>
    tpu.wait_indirect_dma semaphore(%arg11 : memref<!tpu.dma_semaphore, #tpu.memory_space<semaphore_mem>>) src(%dma_wait3A_245 : memref<128x64xf32, #tpu.memory_space<vmem>>) dst(%dma_wait3A_251 : memref<10112x64xf32, #tpu.memory_space<vmem_shared>>)
    %barrier3A_252 = arith.constant 0 : index
    tpu.barrier barrier_id(%barrier3A_252)
    %mul3A_253 = arith.constant 632 : i32
    %mul3A_254 = arith.muli %arg1, %mul3A_253 : i32
    %mul3A_255 = arith.constant 632 : i32
    %mul3A_256 = arith.muli %arg1, %mul3A_255 : i32
    "tpu.region"() ({
      %run_scoped3A = tpu.sem_alloc : memref<!tpu.dma_semaphore, #tpu.memory_space<semaphore_mem>>
      %dma_start3A_257 = arith.constant 0 : i32
      %dma_start3A_258 = tpu.memref_slice %arg5[%arg0, %mul3A_256, %dma_start3A_257] : memref<2x10112x64xf32, #tpu.memory_space<hbm>> -> memref<1x632x64xf32, #tpu.memory_space<hbm>>
      %dma_start3A_259 = tpu.memref_squeeze %dma_start3A_258 : memref<1x632x64xf32, #tpu.memory_space<hbm>> -> memref<632x64xf32, #tpu.memory_space<hbm>>
      %dma_start3A_260 = arith.constant 0 : i32
      %dma_start3A_261 = tpu.memref_slice %arg8[%mul3A_254, %dma_start3A_260] : memref<10112x64xf32, #tpu.memory_space<vmem_shared>> -> memref<632x64xf32, #tpu.memory_space<vmem_shared>>
      tpu.enqueue_dma source(%dma_start3A_261 : memref<632x64xf32, #tpu.memory_space<vmem_shared>>) target(%dma_start3A_259 : memref<632x64xf32, #tpu.memory_space<hbm>>) target_semaphore(%run_scoped3A : memref<!tpu.dma_semaphore, #tpu.memory_space<semaphore_mem>>)
      %dma_wait3A_262 = arith.constant 0 : i32
      %dma_wait3A_263 = tpu.memref_slice %arg5[%arg0, %mul3A_256, %dma_wait3A_262] : memref<2x10112x64xf32, #tpu.memory_space<hbm>> -> memref<1x632x64xf32, #tpu.memory_space<hbm>>
      %dma_wait3A_264 = tpu.memref_squeeze %dma_wait3A_263 : memref<1x632x64xf32, #tpu.memory_space<hbm>> -> memref<632x64xf32, #tpu.memory_space<hbm>>
      %dma_wait3A_265 = arith.constant 0 : i32
      %dma_wait3A_266 = tpu.memref_slice %arg8[%mul3A_254, %dma_wait3A_265] : memref<10112x64xf32, #tpu.memory_space<vmem_shared>> -> memref<632x64xf32, #tpu.memory_space<vmem_shared>>
      tpu.wait_dma2 semaphore(%run_scoped3A : memref<!tpu.dma_semaphore, #tpu.memory_space<semaphore_mem>>) src(%dma_wait3A_266 : memref<632x64xf32, #tpu.memory_space<vmem_shared>>) dst(%dma_wait3A_264 : memref<632x64xf32, #tpu.memory_space<hbm>>)
      tpu.yield
    }) : () -> ()
    return
  }
}

module attributes {stable_mosaic.version = 14 : i64} {
  func.func @body(%arg0: memref<2x10112x64xf32, #tpu.memory_space<vmem>>, %arg1: memref<128x128xf32, #tpu.memory_space<vmem>>, %arg2: memref<1x128xf32, #tpu.memory_space<vmem>>, %arg3: memref<1x128xf32, #tpu.memory_space<vmem>>, %arg4: memref<1x128xf32, #tpu.memory_space<vmem>>, %arg5: memref<10000x128xf32, #tpu.memory_space<vmem>>) attributes {dimension_semantics = [], scalar_prefetch = 0 : i64, scratch_operands = 0 : i64, tpu.core_type = #tpu.core_type<tc>} {
    %get3A = arith.constant 0 : index
    %get3A_0 = arith.constant 0 : index
    %get3A_1 = arith.constant 0 : index
    %get3A_2 = vector.load %arg0[%get3A, %get3A_0, %get3A_1] : memref<2x10112x64xf32, #tpu.memory_space<vmem>>, vector<1x10000x64xf32>
    %get3A_3 = vector.shape_cast %get3A_2 : vector<1x10000x64xf32> to vector<10000x64xf32>
    %get3A_4 = arith.constant 1 : index
    %get3A_5 = arith.constant 0 : index
    %get3A_6 = arith.constant 0 : index
    %get3A_7 = vector.load %arg0[%get3A_4, %get3A_5, %get3A_6] : memref<2x10112x64xf32, #tpu.memory_space<vmem>>, vector<1x10000x64xf32>
    %get3A_8 = vector.shape_cast %get3A_7 : vector<1x10000x64xf32> to vector<10000x64xf32>
    %concatenate3A = tpu.concatenate %get3A_3, %get3A_8 in 1 : vector<10000x64xf32>, vector<10000x64xf32> -> vector<10000x128xf32>
    %get3A_9 = arith.constant 0 : index
    %get3A_10 = arith.constant 0 : index
    %get3A_11 = vector.load %arg1[%get3A_9, %get3A_10] : memref<128x128xf32, #tpu.memory_space<vmem>>, vector<128x128xf32>
    %dot_general3A = arith.constant dense<0.000000e+00> : vector<10000x128xf32>
    %dot_general3A_12 = tpu.matmul %concatenate3A, %get3A_11, %dot_general3A {dimension_numbers = #tpu.dot_dimension_numbers<[1], [1], [0], [0], [0, 0, 1, 0], [], []>, transpose_lhs_hint = false} : vector<10000x128xf32>, vector<128x128xf32>, vector<10000x128xf32> -> vector<10000x128xf32>
    %get3A_13 = arith.constant 0 : index
    %get3A_14 = arith.constant 0 : index
    %get3A_15 = vector.load %arg2[%get3A_13, %get3A_14] : memref<1x128xf32, #tpu.memory_space<vmem>>, vector<1x128xf32>
    %add3A = vector.broadcast %get3A_15 : vector<1x128xf32> to vector<10000x128xf32>
    %add3A_16 = arith.addf %dot_general3A_12, %add3A : vector<10000x128xf32>
    %reduce_sum3A = arith.constant dense<0.000000e+00> : vector<128xf32>
    %reduce_sum3A_17 = vector.multi_reduction <add>, %add3A_16, %reduce_sum3A [0] : vector<10000x128xf32> to vector<128xf32>
    %broadcast_in_dim3A = vector.shape_cast %reduce_sum3A_17 : vector<128xf32> to vector<1x128xf32>
    %div3A = arith.constant 1.000000e+04 : f32
    %div3A_18 = vector.broadcast %div3A : f32 to vector<1x128xf32>
    %div3A_19 = arith.divf %broadcast_in_dim3A, %div3A_18 : vector<1x128xf32>
    %sub3A = vector.broadcast %div3A_19 : vector<1x128xf32> to vector<10000x128xf32>
    %sub3A_20 = arith.subf %add3A_16, %sub3A : vector<10000x128xf32>
    %integer_pow3A = arith.mulf %sub3A_20, %sub3A_20 : vector<10000x128xf32>
    %reduce_sum3A_21 = arith.constant dense<0.000000e+00> : vector<128xf32>
    %reduce_sum3A_22 = vector.multi_reduction <add>, %integer_pow3A, %reduce_sum3A_21 [0] : vector<10000x128xf32> to vector<128xf32>
    %broadcast_in_dim3A_23 = vector.shape_cast %reduce_sum3A_22 : vector<128xf32> to vector<1x128xf32>
    %div3A_24 = arith.constant 1.000000e+04 : f32
    %div3A_25 = vector.broadcast %div3A_24 : f32 to vector<1x128xf32>
    %div3A_26 = arith.divf %broadcast_in_dim3A_23, %div3A_25 : vector<1x128xf32>
    %sub3A_27 = vector.broadcast %div3A_19 : vector<1x128xf32> to vector<10000x128xf32>
    %sub3A_28 = arith.subf %add3A_16, %sub3A_27 : vector<10000x128xf32>
    %add3A_29 = arith.constant 9.99999974E-6 : f32
    %add3A_30 = vector.broadcast %add3A_29 : f32 to vector<1x128xf32>
    %add3A_31 = arith.addf %div3A_26, %add3A_30 : vector<1x128xf32>
    %rsqrt3A = math.rsqrt %add3A_31 : vector<1x128xf32>
    %mul3A = vector.broadcast %rsqrt3A : vector<1x128xf32> to vector<10000x128xf32>
    %mul3A_32 = arith.mulf %sub3A_28, %mul3A : vector<10000x128xf32>
    %get3A_33 = arith.constant 0 : index
    %get3A_34 = arith.constant 0 : index
    %get3A_35 = vector.load %arg3[%get3A_33, %get3A_34] : memref<1x128xf32, #tpu.memory_space<vmem>>, vector<1x128xf32>
    %mul3A_36 = vector.broadcast %get3A_35 : vector<1x128xf32> to vector<10000x128xf32>
    %mul3A_37 = arith.mulf %mul3A_32, %mul3A_36 : vector<10000x128xf32>
    %get3A_38 = arith.constant 0 : index
    %get3A_39 = arith.constant 0 : index
    %get3A_40 = vector.load %arg4[%get3A_38, %get3A_39] : memref<1x128xf32, #tpu.memory_space<vmem>>, vector<1x128xf32>
    %add3A_41 = vector.broadcast %get3A_40 : vector<1x128xf32> to vector<10000x128xf32>
    %add3A_42 = arith.addf %mul3A_37, %add3A_41 : vector<10000x128xf32>
    %swap3A = arith.constant 0 : index
    %swap3A_43 = arith.constant 0 : index
    %swap3A_44 = vector.load %arg5[%swap3A, %swap3A_43] : memref<10000x128xf32, #tpu.memory_space<vmem>>, vector<10000x128xf32>
    tpu.vector_store %arg5[%swap3A, %swap3A_43], %add3A_42 {strides = array<i32>} : memref<10000x128xf32, #tpu.memory_space<vmem>>, vector<10000x128xf32>,
    return
  }
}

</mosaic_0001>

<sc_bundles>
// kernel: kernel.4.cloned.1.call-start
scs
__scs_entry_jumppad:
0x0: {  	(pc) =	sbr.rel $0x88, $3  }
0x1: {  	(tag) =	ssettag $0x0;
	lr =	simm.s32 $0x1  }
0x2: {  	[smem:$0x3F9B] =	sst lr;
	_ =	strace $0xD0000000  }
0x3: {  	_ = 	snop  }
0x4: {  	_ = 	snop  }
0x5: {  	_ = 	snop  }
0x6: {  	_ = 	snop  }
0x7: {  	_ = 	snop  }
__scs_overlays_trampoline_lowered:
0x8: {  	[smem:$0x3FAA] =	sst s0  }
0x9: {  	[smem:$0x3FAB] =	sst s1  }
0xa: {  	[smem:$0x3FAC] =	sst s2  }
0xb: {  	[smem:$0x3FAD] =	sst s3  }
0xc: {  	[smem:$0x3FAE] =	sst s4  }
0xd: {  	[smem:$0x3FAF] =	sst s5  }
0xe: {  	[smem:$0x3FB0] =	sst s6  }
0xf: {  	[smem:$0x3FB1] =	sst s7  }
0x10: {  	[smem:$0x3FB2] =	sst s8  }
0x11: {  	[smem:$0x3FB3] =	sst s9;
	s0 =	simm.s32 @!p0 $0x0  }
0x12: {  	s1 =	sld [smem:$0x3F99];
	s0 =	simm.s32 @p0 $0x1  }
0x13: {  	[smem:$0x3FB4] =	sst s0;
	s0 =	simm.s32 @!p1 $0x0  }
0x14: {  	s2 =	sld [smem:$0x3F98];
	s0 =	simm.s32 @p1 $0x1  }
0x15: {  	[smem:$0x3FB5] =	sst s0;
	s0 =	simm.s32 @!p2 $0x0  }
0x16: {  	s3 =	sld [smem:$0x3FDB];
	s0 =	simm.s32 @p2 $0x1  }
0x17: {  	s4 =	simm.s32 $0x1BF5;
	[smem:$0x3FB7] =	sst s0  }
0x18: {  	s0 =	sld [smem:$0x3F9A];
	_ =	swait.ge [sflag:s4], $0x0  }
0x19: {  	s7 =	sld [smem:$0x3F9B]  }
0x1a: {  	s8 =	sadd.s32 $0xFFFFE003, lr  }
0x1b: {  	s9 =	sadd.s32 $0xFFFFFEF7, lr;
	s5 =	simm.s32 $0xFFFFFFFF;
	p2 =	slt.u32 s8, $0xFFFFF086  }
0x1c: {  	p1 =	slt.u32 s9, $0xF7A;
	s5 =	simm.s32 @!p2 $0x0  }
0x1d: {  	s5 =	simm.s32 @p1 $0x1;
	p0 =	seq.s32 s7, s2  }
0x1e: {  	s7 =	smul.u32 @!p0 $0xF7A, s2;
	p2 =	seq.s32 @!p0 s5, $0x0  }
0x1f: {  	s9 =	smul.u32 $0xF7A, s1;
	s8 =	simm.s32 @!p0 $0x1BF5;
	p2 =	por !p2, p0  }
0x20: {  	[sflag:s8] =	ssyncset.s32 @!p0 $0xFFFFF086;
	s6 =	sadd.s32 @!p0 s3, s7;
	s7 =	simm.s32 @!p0 $0x108  }
0x21: {  	s3 =	sadd.s32 s3, s9;
	s6 =	sadd.s32 @!p0 $0x88, s6;
	s7 =	simm.s32 @p2 $0x1082  }
0x22: {  	[simem:s7], [sflag:s8] =	dma.local @!p0 [hbm:s6], $0xF7A  }
0x23: {  	s9 =	sor.u32 $0xD0000000, s2;
	s6 =	simm.s32 $0x108;
	_ =	swait.ge @!p0 [sflag:s8], $0x0  }
0x24: {  	s3 =	sadd.s32 $0x88, s3;
	s6 =	simm.s32 @!p1 $0x1082;
	[sflag:s4] =	ssyncset.s32 $0xFFFFF086  }
0x25: {  	[simem:s6], [sflag:s4] =	dma.local [hbm:s3], $0xF7A  }
0x26: {  	[smem:$0x3F9B] =	sst s1;
	(tag) =	ssettag s2;
	_ =	strace s9  }
0x27: {  	s1 =	sld [smem:$0x3FAB]  }
0x28: {  	s2 =	sld [smem:$0x3FAC]  }
0x29: {  	s4 =	sld [smem:$0x3FAE]  }
0x2a: {  	p0 =	seq.s32 s5, $0x0;
	s5 =	sld [smem:$0x3FAF]  }
0x2b: {  	s6 =	sld [smem:$0x3FB0]  }
0x2c: {  	s7 =	sld [smem:$0x3FB1]  }
0x2d: {  	s3 =	simm.s32 $0x108;
	s8 =	sld [smem:$0x3FB2]  }
0x2e: {  	s3 =	simm.s32 @!p0 $0x1082;
	s9 =	sld [smem:$0x3FB3]  }
0x2f: {  	lr =	sadd.s32 s0, s3;
	s0 =	sld [smem:$0x3FAA]  }
0x30: {  	s3 =	sld [smem:$0x3FAD]  }
0x31: {  	[smem:$0x3FB6] =	sst s10  }
0x32: {  	s10 =	sld [smem:$0x3FB4];
	_ =	sdelay $0x3  }
0x33: {  	p0 =	seq.s32 s10, $0x1;
	s10 =	sld [smem:$0x3FB6];
	_ =	sdelay $0x3  }
0x34: {  	[smem:$0x3FB6] =	sst s10  }
0x35: {  	s10 =	sld [smem:$0x3FB5];
	_ =	sdelay $0x3  }
0x36: {  	p1 =	seq.s32 s10, $0x1;
	s10 =	sld [smem:$0x3FB6];
	_ =	sdelay $0x3  }
0x37: {  	[smem:$0x3FB6] =	sst s10  }
0x38: {  	s10 =	sld [smem:$0x3FB7]  }
0x39: {  	_ = 	snop;
	(pc) =	sbr.ind lr, $3  }
0x3a: {  	_ = 	snop  }
0x3b: {  	_ = 	snop  }
0x3c: {  	p2 =	seq.s32 s10, $0x1;
	s10 =	sld [smem:$0x3FB6]  }
0x3d: {  	_ =	shalt  }
0x3e: {  	_ =	shalt  }
0x3f: {  	_ =	shalt  }
0x40: {  	_ =	shalt  }
0x41: {  	_ =	shalt  }
0x42: {  	_ =	shalt  }
0x43: {  	_ =	shalt  }
0x44: {  	_ =	shalt  }
0x45: {  	_ =	shalt  }
0x46: {  	_ =	shalt  }
0x47: {  	_ =	shalt  }
0x48: {  	_ =	shalt  }
0x49: {  	_ =	shalt  }
0x4a: {  	_ =	shalt  }
0x4b: {  	_ =	shalt  }
0x4c: {  	_ =	shalt  }
0x4d: {  	_ =	shalt  }
0x4e: {  	_ =	shalt  }
0x4f: {  	_ =	shalt  }
0x50: {  	_ =	shalt  }
0x51: {  	_ =	shalt  }
0x52: {  	_ =	shalt  }
0x53: {  	_ =	shalt  }
0x54: {  	_ =	shalt  }
0x55: {  	_ =	shalt  }
0x56: {  	_ =	shalt  }
0x57: {  	_ =	shalt  }
0x58: {  	_ =	shalt  }
0x59: {  	_ =	shalt  }
0x5a: {  	_ =	shalt  }
0x5b: {  	_ =	shalt  }
0x5c: {  	_ =	shalt  }
0x5d: {  	_ =	shalt  }
0x5e: {  	_ =	shalt  }
0x5f: {  	_ =	shalt  }
0x60: {  	_ =	shalt  }
0x61: {  	_ =	shalt  }
0x62: {  	_ =	shalt  }
0x63: {  	_ =	shalt  }
0x64: {  	_ =	shalt  }
0x65: {  	_ =	shalt  }
0x66: {  	_ =	shalt  }
0x67: {  	_ =	shalt  }
0x68: {  	_ =	shalt  }
0x69: {  	_ =	shalt  }
0x6a: {  	_ =	shalt  }
0x6b: {  	_ =	shalt  }
0x6c: {  	_ =	shalt  }
0x6d: {  	_ =	shalt  }
0x6e: {  	_ =	shalt  }
0x6f: {  	_ =	shalt  }
0x70: {  	_ =	shalt  }
0x71: {  	_ =	shalt  }
0x72: {  	_ =	shalt  }
0x73: {  	_ =	shalt  }
0x74: {  	_ =	shalt  }
0x75: {  	_ =	shalt  }
0x76: {  	_ =	shalt  }
0x77: {  	_ =	shalt  }
0x78: {  	_ =	shalt  }
0x79: {  	_ =	shalt  }
0x7a: {  	_ =	shalt  }
0x7b: {  	_ =	shalt  }
0x7c: {  	_ =	shalt  }
0x7d: {  	_ =	shalt  }
0x7e: {  	_ =	shalt  }
0x7f: {  	_ =	shalt  }
0x80: {  	_ =	shalt  }
0x81: {  	_ =	shalt  }
0x82: {  	_ =	shalt  }
0x83: {  	_ =	shalt  }
0x84: {  	_ =	shalt  }
0x85: {  	_ =	shalt  }
0x86: {  	_ =	shalt  }
0x87: {  	_ =	shalt  }
.Lfunc_end0:
.L_simem_size_0:
called_computation_lowered:
.L_overlay_start_0:
0x88: {  	s2 =	sld [smem:$0x3FD9]  }
0x89: {  	s3 =	sld [smem:$0x3FFE];
	_ =	sdelay $0x1  }
0x8a: {  	s1 =	srdreg.scid  }
0x8b: {  	s0 =	sand.u32 $0x1, s1  }
0x8c: {  	s17 =	sshll.u32 s0, $0xA;
	s2 =	sadd.s32 s3, s2  }
0x8d: {  	s2 =	sadd.s32 s2, s17  }
0x8e: {  	[smem:$0x3FC2] =	sst s2  }
0x8f: {  	_ = 	snop  }
0x90: {  	s2 =	sld [smem:$0x3FD0];
	(tm) =	ssettm $0x1  }
0x91: {  	s18 =	sld [smem:$0x3FFB];
	_ =	sdelay $0x3  }
0x92: {  	_ =	strace s18  }
0x93: {  	s3 =	sld [smem:$0x3FFC];
	_ =	sdelay $0x3  }
0x94: {  	_ =	strace s3  }
0x95: {  	s3 =	sld [smem:$0x3FFD];
	_ =	sdelay $0x3  }
0x96: {  	_ =	strace s3  }
0x97: {  	_ =	strace $0x8FFFFFFF  }
0x98: {  	s19 =	sld [smem:$0x3FDB];
	_ =	sdelay $0x1  }
0x99: {  	s4 =	simm.s32 $_scs_section_size  }
0x9a: {  	s5 =	simm.s32 $_size__tile_overlayer_lowered;
	s6 =	simm.s32 $_tile_overlayer_lowered  }
0x9b: {  	s22 =	simm.s32 $0x1BFF;
	s21 =	sshll.u32 s6, $0x1;
	s3 =	sadd.s32 s4, s19  }
0x9c: {  	s7 =	simm.s32 $0x0;
	s20 =	sshll.u32 s5, $0x1;
	s5 =	sadd.s32 s21, s3  }
0x9d: {  	[timem:s7], [sflag:s22] =	dma.local [hbm:s5], s20  }
0x9e: {  	_ =	swait.ge [sflag:s22], s20  }
0x9f: {  	s4 =	ssub.s32 $0x0, s20;
	[sflag:s22] =	ssyncset.done $0x0  }
0xa0: {  	[sflag:s22] =	ssyncadd.s32 s4;
	_ =	sdelay $0x1  }
0xa1: {  	s23 =	simm.s32 $0x1B8B  }
0xa2: {  	_ =	swait.ge [sflag:s23], $0x1  }
0xa3: {  	[sflag:s23] =	ssyncset.done $0x0  }
0xa4: {  	s25 =	simm.s32 $0x1B8E;
	s24 =	sld [smem:$0x3FFE];
	[sflag:s23] =	ssyncadd.s32 $0xFFFFFFFF  }
0xa5: {  	s26 =	simm.s32 $execute0_lowered;
	[smem:$0x3FD2] =	sst s25  }
0xa6: {  	s5 =	sshll.u32 s26, $0x1;
	_ =	strace $0x80000046;
	[dreg:$0x1] =	wrdreg $0xFFFFFFFF  }
0xa7: {  	s28 =	simm.s32 $_size_execute0_lowered;
	s3 =	sadd.s32 s3, s5;
	[dreg:$0x0] =	wrdreg $0x0  }
0xa8: {  	s5 =	sshll.u32 s28, $0x1;
	[dreg:$0x2] =	wrdreg s3  }
0xa9: {  	[dreg:$0x3] =	wrdreg s5  }
0xaa: {  	[dreg:$0x4] =	wrdreg $0xC0  }
0xab: {  	_ =	task [dreg:s7], $0x5FFFF  }
0xac: {  	[dreg:$0x1] =	wrdreg $0xFFFFFFFF  }
0xad: {  	[dreg:$0x0] =	wrdreg $0x60  }
0xae: {  	[dreg:$0x2] =	wrdreg s2  }
0xaf: {  	[dreg:$0x3] =	wrdreg s24  }
0xb0: {  	[dreg:$0x4] =	wrdreg $0x14B000  }
0xb1: {  	[dreg:$0x5] =	wrdreg $0x9  }
0xb2: {  	_ =	task.clear_ibuf [dreg:s7], $0x6FFFF;
	_ =	strace $0x90000046  }
0xb3: {  	s29 =	simm.s32 $0x9;
	_ =	strace $0x80000048  }
0xb4: {  	_ =	swait.ge [sflag:s29], $0x1  }
0xb5: {  	[sflag:s29] =	ssyncadd.s32 $0xFFFFFFFF  }
0xb6: {  	_ =	strace $0x90000048  }
0xb7: {  	_ =	sfence  }
0xb8: {  	s30 =	sld [smem:$0x0];
	_ =	sdelay $0x2  }
0xb9: {  	s31 =	sshll.u32 s1, $0xD;
	s1 =	sshrl.u32 s1, $0x2  }
0xba: {  	s3 =	sand.u32 $0x4000, s31;
	s1 =	sadd.s32 s1, s30  }
0xbb: {  	s0 =	sor.u32 s3, s0;
	s1 =	sshll.u32 s1, $0x11  }
0xbc: {  	s0 =	sor.u32 s1, s0  }
0xbd: {  	s0 =	sadd.s32 $0x8F2B, s0  }
0xbe: {  	[sflag:s0] =	ssyncadd.remote.s32 $0x1  }
0xbf: {  	_ =	sfence.sel $0xFFFF  }
0xc0: {  	[dreg:$0x0] =	wrdreg $0xFFFFFFFF;
	(pc) =	sbr.abs _section_cstart, $3  }
0xc1: {  	[dreg:$0x1] =	wrdreg $0xFFFFFFFF  }
0xc2: {  	_ =	task.clear_ibuf [dreg:s7], $0x2FFFF;
	_ =	strace $0x9FFFFFFF  }
0xc3: {  	(tm) =	ssettm $0x7FFFFFFF  }
tec
execute0_lowered:
.L_overlay_start_1:
0x0: {  	(tag) =	ssettag $0x1  }
0x1: {  	s0 =	rddreg [dreg:$0x0]  }
0x2: {  	s1 =	rddreg [dreg:$0x1];
	s13 =	stileid.u32  }
0x3: {  	s3 =	srdreg.scid;
	s2 =	rddreg [dreg:$0x2];
	s26 =	simm.s32 $0xCB00  }
0x4: {  	s14 =	simm.s32 $0x1;
	s15 =	simm.s32 $0x3;
	s7 =	smul.u32 $0x9E00, s13  }
0x5: {  	s16 =	simm.s32 $0x280;
	s17 =	simm.s32 $0x0;
	s8 =	smul.u32 $0x9D00, s13  }
0x6: {  	s4 =	sand.u32 $0x1, s3;
	s3 =	simm.s32 $0x0;
	s13 =	smul.u32 $0x13A0, s13  }
0x7: {  	s10 =	sadd.s32 $0x800, s1;
	s5 =	smul.u32 $0x9E000, s4;
	[smem:$0x7FF] =	sst s3  }
0x8: {  	s29 =	ssub.s32 $0x2, s4;
	s11 =	smul.u32 $0x13880, s4;
	_ =	strace $0x80000047  }
0x9: {  	s6 =	sshrl.u32 s7, $0x3;
	s30 =	sshrl.u32 s29, $0x1;
	s8 =	sshrl.u32 s8, $0x3  }
0xa: {  	s31 =	sadd.s32 s13, s10;
	s13 =	simm.s32 $0x80;
	s5 =	sadd.s32 s7, s5  }
.Ltmp0:
0xb: {  	s9 =	sadd.s32 s6, s1;
	s12 =	ssub.s32 s29, s30;
	(pc) =	sbr.rel .LBB2_1-.Ltmp0, $4  }
0xc: {  	s4 =	sadd.s32 s10, s8;
	s7 =	sadd.s32 s7, s2;
	s20 =	sadd.s32 $0x160, s31  }
0xd: {  	s5 =	sshrl.u32 s5, $0x3;
	s6 =	sadd.s32 $0x120, s4;
	s8 =	sadd.s32 $0x14200, s9  }
0xe: {  	s10 =	smax.u32 s12, $0x1;
	s12 =	simm.s32 $0x4;
	s1 =	sadd.s32 s5, s1  }
0xf: {  	s5 =	sadd.s32 s0, s11;
	s0 =	simm.s32 $0x2;
	s9 =	sadd.s32 $0x27E00, s1  }
.LBB2_5:
0x10: {  	_ =	swait.ge [sflag:s15], $0x2000  }
0x11: {  	[sflag:s15] =	ssyncset.done $0x0  }
0x12: {  	[sflag:s15] =	ssyncadd.s32 $0xFFFFE000  }
0x13: {  	_ =	swait.ge [sflag:s14], $0x2000  }
0x14: {  	[sflag:s14] =	ssyncset.done $0x0  }
0x15: {  	[sflag:s14] =	ssyncadd.s32 $0xFFFFE000  }
0x16: {  	[spmem:s2] =	stream.indirect.scatter.add.f32 [tilespmem:s26], [sflag:$0x3], $0x40, s16, s13, $0xb8;
	[tilespmem:$0x1E900] =	vst v63  }
0x17: {  	_ =	swait.ge [sflag:s15], $0x2000  }
0x18: {  	s17 =	sadd.s32 $0x1, s17;
	[sflag:s15] =	ssyncset.done $0x0  }
0x19: {  	p0 =	sne.s32 s17, s10;
	[sflag:s15] =	ssyncadd.s32 $0xFFFFE000  }
.Ltmp1:
0x1a: {  	[bflag:$0x0] =	sbarrier.arrive $0xFFFF;
	(pc) =	sbr.rel @!p0 .LBB2_6-.Ltmp1, $4  }
0x1b: {  	[hbm:s9], [sflag:s18] =	dma.local [spmem:s19], $0x13C0  }
0x1c: {  	_ =	swait.ge [sflag:s12], $0x13C0  }
0x1d: {  	[sflag:s12] =	ssyncset.done $0x0  }
0x1e: {  	[sflag:s12] =	ssyncadd.s32 $0xFFFFEC40  }
.LBB2_1:
0x1f: {  	[tilespmem:s3], [sflag:$0x4] =	stream.linear.gather [hbm4b:s4+s3], $0x900, $0x38;
	[tilespmem:$0x1E900] =	vst v63  }
0x20: {  	_ =	swait.ge [sflag:s12], $0x900  }
0x21: {  	[sflag:s12] =	ssyncset.done $0x0  }
0x22: {  	s1 =	simm.s32 $0xB00;
	[sflag:s12] =	ssyncadd.s32 $0xFFFFF700  }
0x23: {  	[tilespmem:s1], [sflag:$0x1] =	stream.indirect.gather [hbm4b:s5+s13], $0x40, s3, s13, $0xb8;
	[tilespmem:$0x1E900] =	vst v63  }
0x24: {  	s25 =	simm.s32 $0x100;
	s11 =	simm.s32 $0x2B00  }
0x25: {  	[tilespmem:s11], [sflag:$0x1] =	stream.indirect.gather [hbm4b:s5+s13], $0x40, s25, s13, $0xb8;
	[tilespmem:$0x1E900] =	vst v63  }
0x26: {  	s28 =	simm.s32 $0x200;
	s29 =	simm.s32 $0x4B00  }
0x27: {  	[tilespmem:s29], [sflag:$0x1] =	stream.indirect.gather [hbm4b:s5+s13], $0x40, s28, s13, $0xb8;
	[tilespmem:$0x1E900] =	vst v63  }
0x28: {  	s30 =	simm.s32 $0x300;
	s31 =	simm.s32 $0x6B00  }
0x29: {  	[tilespmem:s31], [sflag:$0x1] =	stream.indirect.gather [hbm4b:s5+s13], $0x40, s30, s13, $0xb8;
	[tilespmem:$0x1E900] =	vst v63  }
0x2a: {  	s18 =	simm.s32 $0x8B00;
	s11 =	simm.s32 $0x400  }
0x2b: {  	[tilespmem:s18], [sflag:$0x1] =	stream.indirect.gather [hbm4b:s5+s13], $0x40, s11, s13, $0xb8;
	[tilespmem:$0x1E900] =	vst v63  }
0x2c: {  	s19 =	simm.s32 $0x500;
	s21 =	simm.s32 $0xAB00  }
0x2d: {  	[tilespmem:s21], [sflag:$0x1] =	stream.indirect.gather [hbm4b:s5+s13], $0x40, s19, s13, $0xb8;
	[tilespmem:$0x1E900] =	vst v63  }
0x2e: {  	s22 =	simm.s32 $0x600  }
0x2f: {  	[tilespmem:s26], [sflag:$0x1] =	stream.indirect.gather [hbm4b:s5+s13], $0x40, s22, s13, $0xb8;
	[tilespmem:$0x1E900] =	vst v63  }
0x30: {  	s23 =	simm.s32 $0x700;
	s24 =	simm.s32 $0xEB00;
	s30 =	stileid.u32  }
0x31: {  	[tilespmem:s24], [sflag:$0x1] =	stream.indirect.gather [hbm4b:s5+s13], $0x40, s23, s13, $0xb8;
	[tilespmem:$0x1E900] =	vst v63  }
0x32: {  	s25 =	simm.s32 $0x800;
	s28 =	simm.s32 $0x10B00;
	s31 =	sshll.u32 s30, $0x6  }
0x33: {  	[tilespmem:s28], [sflag:$0x1] =	stream.indirect.gather [hbm4b:s5+s13], $0x40, s25, s13, $0xb8;
	[tilespmem:$0x1E900] =	vst v63  }
0x34: {  	s29 =	simm.s32 $0x900;
	s18 =	sor.u32 $0x1C04, s31;
	s19 =	sshrl.u32 s7, $0x3  }
0x35: {  	[tilespmem:s29], [sflag:$0x2] =	stream.linear.gather [hbm4b:s6+s3], $0x100, $0x38;
	[tilespmem:$0x1E900] =	vst v63  }
0x36: {  	[spmem:s19], [sflag:s18] =	dma.local [hbm:s8], $0x13C0  }
.Ltmp2:
0x37: {  	_ =	swait.ge [sflag:s12], $0x13C0;
	(pc) =	sbr.rel .LBB2_2-.Ltmp2, $4  }
0x38: {  	[sflag:s12] =	ssyncset.done $0x0  }
0x39: {  	[sflag:s12] =	ssyncadd.s32 $0xFFFFEC40  }
0x3a: {  	[bflag:$0x0] =	sbarrier.arrive $0xFFFF  }
0x3b: {  	s11 =	smov.u32 s20;
	s21 =	simm.s32 $0x0  }
.LBB2_4:
0x3c: {  	s24 =	sshrl.u32 s24, $0x8  }
0x3d: {  	s25 =	ssub.s32 s21, s24  }
0x3e: {  	s28 =	smul.u32 $0xCD, s21;
	s25 =	sand.u32 $0xFE, s25  }
0x3f: {  	s25 =	sshrl.u32 s25, $0x1  }
0x40: {  	s28 =	sshrl.u32 s28, $0xB;
	s24 =	sadd.s32 s24, s25  }
0x41: {  	s29 =	sand.u32 $0x1F, s28;
	s24 =	sand.u32 $0xF8, s24  }
0x42: {  	s25 =	smul.u32 $0xA, s29;
	s24 =	sshrl.u32 s24, $0x3  }
0x43: {  	s24 =	smul.u32 $0xB, s24;
	_ =	sdelay $0x1  }
0x44: {  	s25 =	ssub.s32 s21, s25;
	s24 =	ssub.s32 s21, s24  }
0x45: {  	_ =	swait.ge [sflag:s14], $0x2000;
	s25 =	sand.u32 $0xFF, s25;
	s24 =	sand.u32 $0xFF, s24  }
0x46: {  	[sflag:s14] =	ssyncset.done $0x0;
	s25 =	sshll.u32 s25, $0xD;
	s24 =	sshll.u32 s24, $0x8  }
0x47: {  	[sflag:s14] =	ssyncadd.s32 $0xFFFFE000;
	s25 =	sor.u32 $0xB00, s25;
	s24 =	sor.u32 $0x80, s24  }
0x48: {  	[spmem:s2] =	stream.indirect.scatter.add.f32 [tilespmem:s25], [sflag:$0x3], $0x40, s24, s13, $0xb8;
	[tilespmem:$0x1E900] =	vst v63  }
0x49: {  	s25 =	sadd.s32 $0xB, s21  }
0x4a: {  	s24 =	sor.u32 $0x1, s21;
	s29 =	smul.u32 $0x75, s25  }
0x4b: {  	s28 =	sand.u32 $0xFF, s24  }
0x4c: {  	s30 =	smul.u32 $0x75, s28;
	s29 =	sshrl.u32 s29, $0x8  }
0x4d: {  	s31 =	ssub.s32 s25, s29  }
0x4e: {  	s30 =	sshrl.u32 s30, $0x8;
	s31 =	sand.u32 $0xFE, s31  }
0x4f: {  	s1 =	ssub.s32 s24, s30;
	s31 =	sshrl.u32 s31, $0x1  }
0x50: {  	s1 =	sand.u32 $0xFE, s1;
	s29 =	sadd.s32 s29, s31;
	s31 =	smul.u32 @p0 $0xCD, s22  }
0x51: {  	s28 =	smul.u32 $0xCD, s28;
	s1 =	sshrl.u32 s1, $0x1;
	s29 =	sand.u32 $0xF8, s29  }
0x52: {  	s1 =	sadd.s32 s30, s1;
	s29 =	sshrl.u32 s29, $0x3;
	s30 =	sshrl.u32 @p0 s31, $0xB  }
0x53: {  	_ =	swait.ge [sflag:s15], $0x2000;
	s29 =	smul.u32 $0xB, s29;
	s30 =	sand.u32 @p0 $0x1F, s30  }
0x54: {  	[sflag:s15] =	ssyncset.done $0x0;
	s28 =	sshrl.u32 s28, $0xB;
	s30 =	smul.u32 @p0 $0xA, s30  }
0x55: {  	s23 =	sshll.u32 @p0 s23, $0x8;
	[sflag:s15] =	ssyncadd.s32 $0xFFFFE000;
	s28 =	smul.u32 $0xA, s28  }
0x56: {  	s25 =	ssub.s32 s25, s29;
	s29 =	simm.s32 @p0 $0x2;
	s22 =	ssub.s32 @p0 s22, s30  }
0x57: {  	s1 =	sshrl.u32 s1, $0x3;
	_ =	swait.ge @p0 [sflag:s29], $0x100;
	s22 =	sand.u32 @p0 $0xFF, s22  }
0x58: {  	s1 =	smul.u32 $0xB, s1;
	[sflag:s29] =	ssyncset.done @p0 $0x0;
	s22 =	sshll.u32 @p0 s22, $0xD  }
0x59: {  	[sflag:s29] =	ssyncadd.s32 @p0 $0xFFFFFF00;
	s29 =	simm.s32 @p0 $0x80;
	s22 =	sor.u32 @p0 $0xB00, s22  }
0x5a: {  	[tilespmem:s22], [sflag:$0x1] =	stream.indirect.gather @p0 [hbm4b:s5+s29], $0x40, s23, s29, $0xb8;
	[tilespmem:$0x1E900] =	vst v63  }
0x5b: {  	s1 =	ssub.s32 s24, s1;
	s23 =	sand.u32 $0xFF, s25;
	p0 =	sgt.u32 s21, $0x91  }
0x5c: {  	s30 =	ssub.s32 s24, s28;
	s23 =	sshll.u32 @!p0 s23, $0x8;
	s24 =	simm.s32 @!p0 $0x0  }
0x5d: {  	[tilespmem:s23], [sflag:$0x2] =	stream.linear.gather @!p0 [hbm4b:s11+s24], $0x100, $0x38;
	[tilespmem:$0x1E900] =	vst v63  }
0x5e: {  	s31 =	sadd.s32 $0x2, s21;
	p0 =	slt.u32 s21, $0x9A  }
.Ltmp3:
0x5f: {  	s1 =	sand.u32 $0xFF, s1;
	s22 =	sand.u32 $0xFF, s30;
	(pc) =	sbr.rel @!p0 .LBB2_5-.Ltmp3, $4  }
0x60: {  	s1 =	sshll.u32 s1, $0x8;
	s22 =	sshll.u32 s22, $0xD;
	_ =	swait.ge [sflag:s14], $0x2000  }
0x61: {  	s1 =	sor.u32 $0x80, s1;
	s22 =	sor.u32 $0xB00, s22;
	[sflag:s14] =	ssyncset.done $0x0  }
0x62: {  	s11 =	sadd.s32 $0x40, s11;
	s21 =	smov.u32 s31;
	[sflag:s14] =	ssyncadd.s32 $0xFFFFE000  }
0x63: {  	[spmem:s2] =	stream.indirect.scatter.add.f32 [tilespmem:s22], [sflag:$0x3], $0x40, s1, s13, $0xb8;
	[tilespmem:$0x1E900] =	vst v63  }
.LBB2_2:
0x64: {  	s24 =	smul.u32 $0x75, s21;
	_ =	sdelay $0x1  }
0x65: {  	s23 =	sadd.s32 $0x492, s24  }
0x66: {  	s22 =	sadd.s32 $0xA, s21;
	s23 =	sshrl.u32 s23, $0x8  }
0x67: {  	s25 =	ssub.s32 s22, s23  }
0x68: {  	s25 =	sand.u32 $0xFE, s25  }
0x69: {  	p0 =	seq.s32 s21, $0x0;
	s25 =	sshrl.u32 s25, $0x1  }
0x6a: {  	p1 =	sgt.u32 @!p0 s21, $0x93;
	s23 =	sadd.s32 s23, s25  }
0x6b: {  	p1 =	por p0, !p1;
	s23 =	sand.u32 $0xF8, s23  }
.Ltmp4:
0x6c: {  	s23 =	sshrl.u32 s23, $0x3;
	(pc) =	sbr.rel @!p1 .LBB2_4-.Ltmp4, $4  }
0x6d: {  	s25 =	simm.s32 @!p0 $0x3;
	s23 =	smul.u32 $0xB, s23  }
0x6e: {  	_ =	swait.ge @!p0 [sflag:s25], $0x2000  }
0x6f: {  	[sflag:s25] =	ssyncset.done @!p0 $0x0;
	s23 =	ssub.s32 s22, s23  }
0x70: {  	[sflag:s25] =	ssyncadd.s32 @!p0 $0xFFFFE000;
	p0 =	por @!p0 $0x0, $0x0;
	s23 =	sand.u32 $0xFF, s23  }
0x71: {  	s25 =	sadd.s32 $0x9, s21  }
0x72: {  	s28 =	sand.u32 $0xFF, s25  }
0x73: {  	s29 =	smul.u32 $0x75, s28;
	_ =	sdelay $0x1  }
0x74: {  	s29 =	sshrl.u32 s29, $0x8  }
0x75: {  	s30 =	ssub.s32 s25, s29  }
0x76: {  	s28 =	smul.u32 $0xCD, s28;
	s30 =	sand.u32 $0xFE, s30  }
0x77: {  	s30 =	sshrl.u32 s30, $0x1  }
0x78: {  	s28 =	sshrl.u32 s28, $0xB;
	s29 =	sadd.s32 s29, s30  }
0x79: {  	_ =	swait.ge [sflag:s0], $0x100;
	s28 =	smul.u32 $0xA, s28;
	s29 =	sshrl.u32 s29, $0x3  }
0x7a: {  	p1 =	sgt.u32 s21, $0x92;
	p0 =	por $0x0, $0x0;
	s29 =	smul.u32 $0xB, s29  }
0x7b: {  	[sflag:s0] =	ssyncset.done $0x0;
	p2 =	por @!p1 $0x1, $0x1;
	s28 =	ssub.s32 s25, s28  }
0x7c: {  	[sflag:s0] =	ssyncadd.s32 $0xFFFFFF00;
	s28 =	sand.u32 $0xFF, s28;
	s25 =	ssub.s32 s25, s29  }
.Ltmp5:
0x7d: {  	s28 =	sshll.u32 s28, $0xD;
	s25 =	sand.u32 $0xFF, s25;
	(pc) =	sbr.rel .LBB2_4-.Ltmp5, $4  }
0x7e: {  	p0 =	por @!p1 p2, p2;
	s28 =	sor.u32 $0xB00, s28;
	s25 =	sshll.u32 s25, $0x8  }
0x7f: {  	[tilespmem:s28], [sflag:$0x1] =	stream.indirect.gather [hbm4b:s5+s13], $0x40, s25, s13, $0xb8;
	[tilespmem:$0x1E900] =	vst v63  }
0x80: {  	s29 =	simm.s32 @!p1 $0x0;
	s25 =	sshll.u32 @!p1 s23, $0x8;
	s28 =	sadd.s32 @!p1 $0xFFFFFFE0, s11  }
0x81: {  	[tilespmem:s25], [sflag:$0x2] =	stream.linear.gather @!p1 [hbm4b:s28+s29], $0x100, $0x38;
	[tilespmem:$0x1E900] =	vst v63  }
.LBB2_6:
0x82: {  	_ =	sfence.sel $0x180000  }
0x83: {  	[bflag:$0x0] =	sbarrier.arrive $0xFFFF  }
0x84: {  	_ =	strace $0x90000047  }
0x85: {  	s0 =	stileid.u32;
	[bflag:$0x2] =	sbarrier.arrive $0xFFFF  }
0x86: {  	p0 =	sne.s32 s0, $0x0;
	s0 =	rddreg [dreg:$0x3]  }
0x87: {  	s0 =	sadd.s32 @!p0 $0x100000, s0  }
0x88: {  	[sflag:s0] =	ssyncadd.tile.s32 @!p0 $0x1;
	_ =	shalt  }
.Lfunc_end2:
_tile_overlayer_lowered:
.L_overlay_start_2:
0x89: {  	(tag) =	ssettag $0x2  }
0x8a: {  	s0 =	rddreg [dreg:$0x0];
	s2 =	stileid.u32  }
0x8b: {  	s1 =	rddreg [dreg:$0x1];
	p0 =	sne.s32 s2, $0x0  }
0x8c: {  	s3 =	rddreg [dreg:$0x2];
	[bflag:$0x3] =	sbarrier.arrive $0xFFFF;
	s2 =	simm.s32 @!p0 $0x1C04  }
0x8d: {  	[timem:s3], [sflag:s2] =	dma.local @!p0 [hbm:s0], s1  }
0x8e: {  	s0 =	simm.s32 @!p0 $0x4  }
0x8f: {  	_ =	swait.ge @!p0 [sflag:s0], s1  }
0x90: {  	s1 =	ssub.s32 @!p0 $0x0, s1;
	[sflag:s0] =	ssyncset.done @!p0 $0x0  }
0x91: {  	[sflag:s0] =	ssyncadd.s32 @!p0 s1  }
0x92: {  	[bflag:$0x3] =	sbarrier.arrive $0xFFFF  }
0x93: {  	_ =	shalt  }

</sc_bundles>
